<compile_context>
chip_gen: v7x
topology: tpu7x:2x2x1
jax: 0.10.2.dev20260603
libtpu: 0.0.44.dev20260713+nightly
codegen_flags: <defaults>
</compile_context>

<pallas_src>
import jax
import jax.numpy as jnp
from jax import lax
from jax.experimental import pallas as pl
from jax.experimental.pallas import tpu as pltpu

ENT = 1000000
REL = 1000
H = 64
B = 4096
MARGIN = 1.0

KU = 8


def _deintl_matrix():
    ii = lax.broadcasted_iota(jnp.int32, (H, H), 0)
    jj = lax.broadcasted_iota(jnp.int32, (H, H), 1)
    src = 2 * (jj % (H // 2)) + jnp.where(jj < H // 2, 0, 1)
    return (ii == src).astype(jnp.float32)


def _score_body(rp_ref, rn_ref, ph_ref, pt_ref, nh_ref, nt_ref,
                relp_ref, out_ref, hde_ref, diff_ref):
    P = _deintl_matrix()
    ii = lax.broadcasted_iota(jnp.int32, (H, H), 0)
    jj = lax.broadcasted_iota(jnp.int32, (H, H), 1)
    I = (ii == jj).astype(jnp.float32)
    dn = (((0,), (0,)), ((), ()))
    hde_ref[pl.ds(0, B), pl.ds(0, H)] = lax.dot_general(
        ph_ref[...], P, dn, preferred_element_type=jnp.float32)
    hde_ref[pl.ds(B, B), pl.ds(0, H)] = lax.dot_general(
        nh_ref[...], P, dn, preferred_element_type=jnp.float32)
    hde_ref[pl.ds(0, B), pl.ds(H, H)] = lax.dot_general(
        pt_ref[...], I, dn, preferred_element_type=jnp.float32)
    hde_ref[pl.ds(B, B), pl.ds(H, H)] = lax.dot_general(
        nt_ref[...], I, dn, preferred_element_type=jnp.float32)

    def body(i, acc):
        b0 = i * KU
        for u in range(KU):
            b = b0 + u
            rp = rp_ref[b]
            rn = rn_ref[b]
            Rp = relp_ref[pl.ds(rp * 32, 32), :]
            Rn = relp_ref[pl.ds(rn * 32, 32), :]
            rowp = hde_ref[pl.ds(b, 1), :]
            rown = hde_ref[pl.ds(B + b, 1), :]
            tp = lax.slice(rowp, (0, H), (1, 2 * H))
            tn = lax.slice(rown, (0, H), (1, 2 * H))
            pe = jnp.dot(lax.slice(rowp, (0, 0), (1, 32)), Rp,
                         preferred_element_type=jnp.float32)
            po = jnp.dot(lax.slice(rowp, (0, 32), (1, 64)), Rp,
                         preferred_element_type=jnp.float32)
            ne = jnp.dot(lax.slice(rown, (0, 0), (1, 32)), Rn,
                         preferred_element_type=jnp.float32)
            no = jnp.dot(lax.slice(rown, (0, 32), (1, 64)), Rn,
                         preferred_element_type=jnp.float32)
            pvec = (lax.slice(pe, (0, 0), (1, H))
                    + lax.slice(po, (0, H), (1, 2 * H))) * tp
            nvec = (lax.slice(ne, (0, 0), (1, H))
                    + lax.slice(no, (0, H), (1, 2 * H))) * tn
            diff_ref[pl.ds(b, 1), :] = nvec - pvec
        return acc

    lax.fori_loop(0, B // KU, body, jnp.float32(0.0))
    d = diff_ref[...]
    s = jnp.sum(d, axis=1) + MARGIN
    out_ref[0, 0] = jnp.sum(jnp.maximum(s, 0.0))


def _score(rp, rn, ph, pt, nh, nt, rel_pair):
    return pl.pallas_call(
        _score_body,
        out_shape=jax.ShapeDtypeStruct((1, 1), jnp.float32),
        in_specs=[
            pl.BlockSpec(memory_space=pltpu.SMEM),
            pl.BlockSpec(memory_space=pltpu.SMEM),
            pl.BlockSpec(memory_space=pltpu.VMEM),
            pl.BlockSpec(memory_space=pltpu.VMEM),
            pl.BlockSpec(memory_space=pltpu.VMEM),
            pl.BlockSpec(memory_space=pltpu.VMEM),
            pl.BlockSpec(memory_space=pltpu.VMEM),
        ],
        out_specs=pl.BlockSpec(memory_space=pltpu.SMEM),
        scratch_shapes=[
            pltpu.VMEM((2 * B, 2 * H), jnp.float32),
            pltpu.VMEM((B, H), jnp.float32),
        ],
    )(rp, rn, ph, pt, nh, nt, rel_pair)


def kernel(pos_h, pos_t, pos_r, neg_h, neg_t, neg_r,
           ent_embeddings, rel_matrices):
    ph = jnp.take_along_axis(ent_embeddings, pos_h[:, None], axis=0).T
    pt = jnp.take_along_axis(ent_embeddings, pos_t[:, None], axis=0).T
    nh = jnp.take_along_axis(ent_embeddings, neg_h[:, None], axis=0).T
    nt = jnp.take_along_axis(ent_embeddings, neg_t[:, None], axis=0).T
    rel_pair = rel_matrices.reshape(REL * 32, 2 * H)
    out = _score(pos_r.astype(jnp.int32), neg_r.astype(jnp.int32),
                 ph, pt, nh, nt, rel_pair)
    return out[0, 0]

# --- scband reference (transcript-rebuilt; emitter-appended) ---
"""Pipeline reference for scband-rescal-59931973648702 (READ-ONLY COPY).

The authoritative reference and input builder live on the scoring server;
editing this copy changes nothing except your own understanding.
"""

import jax, jax.numpy as jnp
import numpy as np

ENT = 1000000
REL = 1000
H = 64
B = 4096
MARGIN = 1.0


def setup_inputs(seed: int = 0) -> dict:
    key = jax.random.key(seed)
    ks = jax.random.split(key, 8)
    pos_h = jax.random.randint(ks[0], (B,), 0, ENT)
    pos_t = jax.random.randint(ks[1], (B,), 0, ENT)
    pos_r = jax.random.randint(ks[2], (B,), 0, REL)
    neg_h = jax.random.randint(ks[3], (B,), 0, ENT)
    neg_t = jax.random.randint(ks[4], (B,), 0, ENT)
    neg_r = jax.random.randint(ks[5], (B,), 0, REL)
    # xavier-ish init for embeddings / relation matrices
    ent_embeddings = jax.random.normal(ks[6], (ENT, H), dtype=jnp.float32) * (1.0 / np.sqrt(H))
    rel_matrices = jax.random.normal(ks[7], (REL, H * H), dtype=jnp.float32) * (1.0 / H)
    return {
        "pos_h": pos_h, "pos_t": pos_t, "pos_r": pos_r,
        "neg_h": neg_h, "neg_t": neg_t, "neg_r": neg_r,
        "ent_embeddings": ent_embeddings, "rel_matrices": rel_matrices,
    }


def reference(pos_h, pos_t, pos_r, neg_h, neg_t, neg_r, ent_embeddings, rel_matrices):
    def _calc(h, t, r):
        # h, t: [B, H, 1]; r: [B, H, H]
        return h * jnp.matmul(r, t)

    p_h = jnp.take(ent_embeddings, pos_h, axis=0).reshape(-1, H, 1)
    p_t = jnp.take(ent_embeddings, pos_t, axis=0).reshape(-1, H, 1)
    p_r = jnp.take(rel_matrices, pos_r, axis=0).reshape(-1, H, H)
    n_h = jnp.take(ent_embeddings, neg_h, axis=0).reshape(-1, H, 1)
    n_t = jnp.take(ent_embeddings, neg_t, axis=0).reshape(-1, H, 1)
    n_r = jnp.take(rel_matrices, neg_r, axis=0).reshape(-1, H, H)

    _p_score = _calc(p_h, p_t, p_r).reshape(-1, 1, H)
    # negative_ent + negative_rel = 1
    _n_score = _calc(n_h, n_t, n_r).reshape(-1, 1, H)

    p_score = jnp.sum(jnp.mean(_p_score, axis=1), axis=1, keepdims=True)
    n_score = jnp.sum(jnp.mean(_n_score, axis=1), axis=1, keepdims=True)

    loss = jnp.sum(jnp.maximum(n_score - p_score + MARGIN, 0.0))
    return loss

if __name__ == "__main__":
    import jax
    _d = setup_inputs()
    print(jax.jit(kernel)(*tuple(_d.values())))

</pallas_src>

<mosaic_0001>
module attributes {stable_mosaic.version = 14 : i64} {
  func.func @_score_body(%arg0: memref<4096xi32, #tpu.memory_space<smem>>, %arg1: memref<4096xi32, #tpu.memory_space<smem>>, %arg2: memref<64x4096xf32, #tpu.memory_space<vmem>>, %arg3: memref<64x4096xf32, #tpu.memory_space<vmem>>, %arg4: memref<64x4096xf32, #tpu.memory_space<vmem>>, %arg5: memref<64x4096xf32, #tpu.memory_space<vmem>>, %arg6: memref<32000x128xf32, #tpu.memory_space<vmem>>, %arg7: memref<1x1xf32, #tpu.memory_space<smem>>, %arg8: memref<8192x128xf32, #tpu.memory_space<vmem>>, %arg9: memref<4096x64xf32, #tpu.memory_space<vmem>>) attributes {dimension_semantics = [], scalar_prefetch = 0 : i64, scratch_operands = 2 : i64, tpu.core_type = #tpu.core_type<tc>} {
    %iota3A = tpu.iota {dimensions = array<i32: 0>} : vector<64x64xi32>
    %iota3A_0 = tpu.iota {dimensions = array<i32: 1>} : vector<64x64xi32>
    %jit3A = arith.constant 32 : i32
    %eq3A = arith.constant 0 : i32
    %eq3A_1 = arith.cmpi eq, %jit3A, %eq3A : i32
    %jit3A_2 = arith.constant 1 : i32
    %select_n3A = arith.select %eq3A_1, %jit3A_2, %jit3A : i32
    %rem3A = vector.broadcast %select_n3A : i32 to vector<64x64xi32>
    %rem3A_3 = arith.remsi %iota3A_0, %rem3A : vector<64x64xi32>
    %ne3A = arith.constant 0 : i32
    %ne3A_4 = vector.broadcast %ne3A : i32 to vector<64x64xi32>
    %ne3A_5 = arith.cmpi ne, %rem3A_3, %ne3A_4 : vector<64x64xi32>
    %lt3A = arith.constant 0 : i32
    %lt3A_6 = vector.broadcast %lt3A : i32 to vector<64x64xi32>
    %lt3A_7 = arith.cmpi slt, %rem3A_3, %lt3A_6 : vector<64x64xi32>
    %lt3A_8 = arith.constant 0 : i32
    %lt3A_9 = arith.cmpi slt, %select_n3A, %lt3A_8 : i32
    %ne3A_10 = vector.broadcast %lt3A_9 : i1 to vector<64x64xi1>
    %ne3A_11 = vector.broadcast %ne3A_10 : vector<64x64xi1> to vector<64x64xi1>
    %ne3A_12 = arith.xori %lt3A_7, %ne3A_11 : vector<64x64xi1>
    %and3A = arith.andi %ne3A_12, %ne3A_5 : vector<64x64xi1>
    %add3A = vector.broadcast %select_n3A : i32 to vector<64x64xi32>
    %add3A_13 = arith.addi %rem3A_3, %add3A : vector<64x64xi32>
    %select_n3A_14 = arith.select %and3A, %add3A_13, %rem3A_3 : vector<64x64xi1>, vector<64x64xi32>
    %mul3A = arith.constant 2 : i32
    %mul3A_15 = vector.broadcast %mul3A : i32 to vector<64x64xi32>
    %mul3A_16 = arith.muli %mul3A_15, %select_n3A_14 : vector<64x64xi32>
    %lt3A_17 = arith.constant 32 : i32
    %lt3A_18 = vector.broadcast %lt3A_17 : i32 to vector<64x64xi32>
    %lt3A_19 = arith.cmpi slt, %iota3A_0, %lt3A_18 : vector<64x64xi32>
    %jit3A_20 = arith.constant 0 : i32
    %jit3A_21 = arith.constant 1 : i32
    %broadcast_in_dim3A = vector.broadcast %jit3A_20 : i32 to vector<64x64xi32>
    %broadcast_in_dim3A_22 = vector.broadcast %jit3A_21 : i32 to vector<64x64xi32>
    %select_n3A_23 = arith.select %lt3A_19, %broadcast_in_dim3A, %broadcast_in_dim3A_22 : vector<64x64xi1>, vector<64x64xi32>
    %add3A_24 = arith.addi %mul3A_16, %select_n3A_23 : vector<64x64xi32>
    %eq3A_25 = arith.cmpi eq, %iota3A, %add3A_24 : vector<64x64xi32>
    %convert_element_type3A = arith.extui %eq3A_25 : vector<64x64xi1> to vector<64x64xi32>
    %convert_element_type3A_26 = arith.sitofp %convert_element_type3A : vector<64x64xi32> to vector<64x64xf32>
    %iota3A_27 = tpu.iota {dimensions = array<i32: 0>} : vector<64x64xi32>
    %iota3A_28 = tpu.iota {dimensions = array<i32: 1>} : vector<64x64xi32>
    %eq3A_29 = arith.cmpi eq, %iota3A_27, %iota3A_28 : vector<64x64xi32>
    %convert_element_type3A_30 = arith.extui %eq3A_29 : vector<64x64xi1> to vector<64x64xi32>
    %convert_element_type3A_31 = arith.sitofp %convert_element_type3A_30 : vector<64x64xi32> to vector<64x64xf32>
    %get3A = arith.constant 0 : index
    %get3A_32 = arith.constant 0 : index
    %get3A_33 = vector.load %arg2[%get3A, %get3A_32] : memref<64x4096xf32, #tpu.memory_space<vmem>>, vector<64x4096xf32>
    %dot_general3A = arith.constant dense<0.000000e+00> : vector<4096x64xf32>
    %dot_general3A_34 = tpu.matmul %get3A_33, %convert_element_type3A_26, %dot_general3A {dimension_numbers = #tpu.dot_dimension_numbers<[0], [0], [1], [1], [0, 1, 1, 1], [], []>, transpose_lhs_hint = false} : vector<64x4096xf32>, vector<64x64xf32>, vector<4096x64xf32> -> vector<4096x64xf32>
    %swap3A = arith.constant 0 : index
    %swap3A_35 = arith.constant 0 : index
    %swap3A_36 = vector.load %arg8[%swap3A, %swap3A_35] : memref<8192x128xf32, #tpu.memory_space<vmem>>, vector<4096x64xf32>
    tpu.vector_store %arg8[%swap3A, %swap3A_35], %dot_general3A_34 {strides = array<i32>} : memref<8192x128xf32, #tpu.memory_space<vmem>>, vector<4096x64xf32>,
    %get3A_37 = arith.constant 0 : index
    %get3A_38 = arith.constant 0 : index
    %get3A_39 = vector.load %arg4[%get3A_37, %get3A_38] : memref<64x4096xf32, #tpu.memory_space<vmem>>, vector<64x4096xf32>
    %dot_general3A_40 = arith.constant dense<0.000000e+00> : vector<4096x64xf32>
    %dot_general3A_41 = tpu.matmul %get3A_39, %convert_element_type3A_26, %dot_general3A_40 {dimension_numbers = #tpu.dot_dimension_numbers<[0], [0], [1], [1], [0, 1, 1, 1], [], []>, transpose_lhs_hint = false} : vector<64x4096xf32>, vector<64x64xf32>, vector<4096x64xf32> -> vector<4096x64xf32>
    %swap3A_42 = arith.constant 4096 : index
    %swap3A_43 = arith.constant 0 : index
    %swap3A_44 = vector.load %arg8[%swap3A_42, %swap3A_43] : memref<8192x128xf32, #tpu.memory_space<vmem>>, vector<4096x64xf32>
    tpu.vector_store %arg8[%swap3A_42, %swap3A_43], %dot_general3A_41 {strides = array<i32>} : memref<8192x128xf32, #tpu.memory_space<vmem>>, vector<4096x64xf32>,
    %get3A_45 = arith.constant 0 : index
    %get3A_46 = arith.constant 0 : index
    %get3A_47 = vector.load %arg3[%get3A_45, %get3A_46] : memref<64x4096xf32, #tpu.memory_space<vmem>>, vector<64x4096xf32>
    %dot_general3A_48 = arith.constant dense<0.000000e+00> : vector<4096x64xf32>
    %dot_general3A_49 = tpu.matmul %get3A_47, %convert_element_type3A_31, %dot_general3A_48 {dimension_numbers = #tpu.dot_dimension_numbers<[0], [0], [1], [1], [0, 1, 1, 1], [], []>, transpose_lhs_hint = false} : vector<64x4096xf32>, vector<64x64xf32>, vector<4096x64xf32> -> vector<4096x64xf32>
    %swap3A_50 = arith.constant 0 : index
    %swap3A_51 = arith.constant 64 : index
    %swap3A_52 = vector.load %arg8[%swap3A_50, %swap3A_51] : memref<8192x128xf32, #tpu.memory_space<vmem>>, vector<4096x64xf32>
    tpu.vector_store %arg8[%swap3A_50, %swap3A_51], %dot_general3A_49 {strides = array<i32>} : memref<8192x128xf32, #tpu.memory_space<vmem>>, vector<4096x64xf32>,
    %get3A_53 = arith.constant 0 : index
    %get3A_54 = arith.constant 0 : index
    %get3A_55 = vector.load %arg5[%get3A_53, %get3A_54] : memref<64x4096xf32, #tpu.memory_space<vmem>>, vector<64x4096xf32>
    %dot_general3A_56 = arith.constant dense<0.000000e+00> : vector<4096x64xf32>
    %dot_general3A_57 = tpu.matmul %get3A_55, %convert_element_type3A_31, %dot_general3A_56 {dimension_numbers = #tpu.dot_dimension_numbers<[0], [0], [1], [1], [0, 1, 1, 1], [], []>, transpose_lhs_hint = false} : vector<64x4096xf32>, vector<64x64xf32>, vector<4096x64xf32> -> vector<4096x64xf32>
    %swap3A_58 = arith.constant 4096 : index
    %swap3A_59 = arith.constant 64 : index
    %swap3A_60 = vector.load %arg8[%swap3A_58, %swap3A_59] : memref<8192x128xf32, #tpu.memory_space<vmem>>, vector<4096x64xf32>
    tpu.vector_store %arg8[%swap3A_58, %swap3A_59], %dot_general3A_57 {strides = array<i32>} : memref<8192x128xf32, #tpu.memory_space<vmem>>, vector<4096x64xf32>,
    %scan3A = arith.constant 0 : i32
    %scan3A_61 = arith.constant 512 : i32
    %scan3A_62 = arith.addi %scan3A, %scan3A_61 : i32
    %scan3A_63 = arith.constant 1 : i32
    scf.for %scan3A_82 = %scan3A to %scan3A_62 step %scan3A_63  : i32 {
      %mul3A_83 = arith.constant 8 : i32
      %mul3A_84 = arith.muli %scan3A_82, %mul3A_83 : i32
      %add3A_85 = arith.constant 0 : i32
      %add3A_86 = arith.addi %mul3A_84, %add3A_85 : i32
      %get3A_87 = arith.index_cast %add3A_86 : i32 to index
      %get3A_88 = memref.load %arg0[%get3A_87] : memref<4096xi32, #tpu.memory_space<smem>>
      %get3A_89 = arith.index_cast %add3A_86 : i32 to index
      %get3A_90 = memref.load %arg1[%get3A_89] : memref<4096xi32, #tpu.memory_space<smem>>
      %mul3A_91 = arith.constant 32 : i32
      %mul3A_92 = arith.muli %get3A_88, %mul3A_91 : i32
      %get3A_93 = arith.index_cast %mul3A_92 : i32 to index
      %get3A_94 = arith.constant 0 : index
      %get3A_95 = vector.load %arg6[%get3A_93, %get3A_94] : memref<32000x128xf32, #tpu.memory_space<vmem>>, vector<32x128xf32>
      %mul3A_96 = arith.constant 32 : i32
      %mul3A_97 = arith.muli %get3A_90, %mul3A_96 : i32
      %get3A_98 = arith.index_cast %mul3A_97 : i32 to index
      %get3A_99 = arith.constant 0 : index
      %get3A_100 = vector.load %arg6[%get3A_98, %get3A_99] : memref<32000x128xf32, #tpu.memory_space<vmem>>, vector<32x128xf32>
      %get3A_101 = arith.index_cast %add3A_86 : i32 to index
      %get3A_102 = arith.constant 0 : index
      %get3A_103 = vector.load %arg8[%get3A_101, %get3A_102] : memref<8192x128xf32, #tpu.memory_space<vmem>>, vector<1x128xf32>
      %add3A_104 = arith.constant 4096 : i32
      %add3A_105 = arith.addi %add3A_104, %add3A_86 : i32
      %get3A_106 = arith.index_cast %add3A_105 : i32 to index
      %get3A_107 = arith.constant 0 : index
      %get3A_108 = vector.load %arg8[%get3A_106, %get3A_107] : memref<8192x128xf32, #tpu.memory_space<vmem>>, vector<1x128xf32>
      %slice3A = vector.extract_strided_slice %get3A_103 {offsets = [0, 64], sizes = [1, 64], strides = [1, 1]} : vector<1x128xf32> to vector<1x64xf32>
      %slice3A_109 = vector.extract_strided_slice %get3A_108 {offsets = [0, 64], sizes = [1, 64], strides = [1, 1]} : vector<1x128xf32> to vector<1x64xf32>
      %slice3A_110 = vector.extract_strided_slice %get3A_103 {offsets = [0, 0], sizes = [1, 32], strides = [1, 1]} : vector<1x128xf32> to vector<1x32xf32>
      %dot_general3A_111 = arith.constant dense<0.000000e+00> : vector<1x128xf32>
      %dot_general3A_112 = tpu.matmul %slice3A_110, %get3A_95, %dot_general3A_111 {dimension_numbers = #tpu.dot_dimension_numbers<[1], [0], [0], [1], [0, 0, 1, 1], [], []>, transpose_lhs_hint = false} : vector<1x32xf32>, vector<32x128xf32>, vector<1x128xf32> -> vector<1x128xf32>
      %slice3A_113 = vector.extract_strided_slice %get3A_103 {offsets = [0, 32], sizes = [1, 32], strides = [1, 1]} : vector<1x128xf32> to vector<1x32xf32>
      %dot_general3A_114 = arith.constant dense<0.000000e+00> : vector<1x128xf32>
      %dot_general3A_115 = tpu.matmul %slice3A_113, %get3A_95, %dot_general3A_114 {dimension_numbers = #tpu.dot_dimension_numbers<[1], [0], [0], [1], [0, 0, 1, 1], [], []>, transpose_lhs_hint = false} : vector<1x32xf32>, vector<32x128xf32>, vector<1x128xf32> -> vector<1x128xf32>
      %slice3A_116 = vector.extract_strided_slice %get3A_108 {offsets = [0, 0], sizes = [1, 32], strides = [1, 1]} : vector<1x128xf32> to vector<1x32xf32>
      %dot_general3A_117 = arith.constant dense<0.000000e+00> : vector<1x128xf32>
      %dot_general3A_118 = tpu.matmul %slice3A_116, %get3A_100, %dot_general3A_117 {dimension_numbers = #tpu.dot_dimension_numbers<[1], [0], [0], [1], [0, 0, 1, 1], [], []>, transpose_lhs_hint = false} : vector<1x32xf32>, vector<32x128xf32>, vector<1x128xf32> -> vector<1x128xf32>
      %slice3A_119 = vector.extract_strided_slice %get3A_108 {offsets = [0, 32], sizes = [1, 32], strides = [1, 1]} : vector<1x128xf32> to vector<1x32xf32>
      %dot_general3A_120 = arith.constant dense<0.000000e+00> : vector<1x128xf32>
      %dot_general3A_121 = tpu.matmul %slice3A_119, %get3A_100, %dot_general3A_120 {dimension_numbers = #tpu.dot_dimension_numbers<[1], [0], [0], [1], [0, 0, 1, 1], [], []>, transpose_lhs_hint = false} : vector<1x32xf32>, vector<32x128xf32>, vector<1x128xf32> -> vector<1x128xf32>
      %slice3A_122 = vector.extract_strided_slice %dot_general3A_112 {offsets = [0, 0], sizes = [1, 64], strides = [1, 1]} : vector<1x128xf32> to vector<1x64xf32>
      %slice3A_123 = vector.extract_strided_slice %dot_general3A_115 {offsets = [0, 64], sizes = [1, 64], strides = [1, 1]} : vector<1x128xf32> to vector<1x64xf32>
      %add3A_124 = arith.addf %slice3A_122, %slice3A_123 : vector<1x64xf32>
      %mul3A_125 = arith.mulf %add3A_124, %slice3A : vector<1x64xf32>
      %slice3A_126 = vector.extract_strided_slice %dot_general3A_118 {offsets = [0, 0], sizes = [1, 64], strides = [1, 1]} : vector<1x128xf32> to vector<1x64xf32>
      %slice3A_127 = vector.extract_strided_slice %dot_general3A_121 {offsets = [0, 64], sizes = [1, 64], strides = [1, 1]} : vector<1x128xf32> to vector<1x64xf32>
      %add3A_128 = arith.addf %slice3A_126, %slice3A_127 : vector<1x64xf32>
      %mul3A_129 = arith.mulf %add3A_128, %slice3A_109 : vector<1x64xf32>
      %sub3A = arith.subf %mul3A_129, %mul3A_125 : vector<1x64xf32>
      %swap3A_130 = arith.index_cast %add3A_86 : i32 to index
      %swap3A_131 = arith.constant 0 : index
      %swap3A_132 = vector.load %arg9[%swap3A_130, %swap3A_131] : memref<4096x64xf32, #tpu.memory_space<vmem>>, vector<1x64xf32>
      tpu.vector_store %arg9[%swap3A_130, %swap3A_131], %sub3A {strides = array<i32>} : memref<4096x64xf32, #tpu.memory_space<vmem>>, vector<1x64xf32>,
      %add3A_133 = arith.constant 1 : i32
      %add3A_134 = arith.addi %mul3A_84, %add3A_133 : i32
      %get3A_135 = arith.index_cast %add3A_134 : i32 to index
      %get3A_136 = memref.load %arg0[%get3A_135] : memref<4096xi32, #tpu.memory_space<smem>>
      %get3A_137 = arith.index_cast %add3A_134 : i32 to index
      %get3A_138 = memref.load %arg1[%get3A_137] : memref<4096xi32, #tpu.memory_space<smem>>
      %mul3A_139 = arith.constant 32 : i32
      %mul3A_140 = arith.muli %get3A_136, %mul3A_139 : i32
      %get3A_141 = arith.index_cast %mul3A_140 : i32 to index
      %get3A_142 = arith.constant 0 : index
      %get3A_143 = vector.load %arg6[%get3A_141, %get3A_142] : memref<32000x128xf32, #tpu.memory_space<vmem>>, vector<32x128xf32>
      %mul3A_144 = arith.constant 32 : i32
      %mul3A_145 = arith.muli %get3A_138, %mul3A_144 : i32
      %get3A_146 = arith.index_cast %mul3A_145 : i32 to index
      %get3A_147 = arith.constant 0 : index
      %get3A_148 = vector.load %arg6[%get3A_146, %get3A_147] : memref<32000x128xf32, #tpu.memory_space<vmem>>, vector<32x128xf32>
      %get3A_149 = arith.index_cast %add3A_134 : i32 to index
      %get3A_150 = arith.constant 0 : index
      %get3A_151 = vector.load %arg8[%get3A_149, %get3A_150] : memref<8192x128xf32, #tpu.memory_space<vmem>>, vector<1x128xf32>
      %add3A_152 = arith.constant 4096 : i32
      %add3A_153 = arith.addi %add3A_152, %add3A_134 : i32
      %get3A_154 = arith.index_cast %add3A_153 : i32 to index
      %get3A_155 = arith.constant 0 : index
      %get3A_156 = vector.load %arg8[%get3A_154, %get3A_155] : memref<8192x128xf32, #tpu.memory_space<vmem>>, vector<1x128xf32>
      %slice3A_157 = vector.extract_strided_slice %get3A_151 {offsets = [0, 64], sizes = [1, 64], strides = [1, 1]} : vector<1x128xf32> to vector<1x64xf32>
      %slice3A_158 = vector.extract_strided_slice %get3A_156 {offsets = [0, 64], sizes = [1, 64], strides = [1, 1]} : vector<1x128xf32> to vector<1x64xf32>
      %slice3A_159 = vector.extract_strided_slice %get3A_151 {offsets = [0, 0], sizes = [1, 32], strides = [1, 1]} : vector<1x128xf32> to vector<1x32xf32>
      %dot_general3A_160 = arith.constant dense<0.000000e+00> : vector<1x128xf32>
      %dot_general3A_161 = tpu.matmul %slice3A_159, %get3A_143, %dot_general3A_160 {dimension_numbers = #tpu.dot_dimension_numbers<[1], [0], [0], [1], [0, 0, 1, 1], [], []>, transpose_lhs_hint = false} : vector<1x32xf32>, vector<32x128xf32>, vector<1x128xf32> -> vector<1x128xf32>
      %slice3A_162 = vector.extract_strided_slice %get3A_151 {offsets = [0, 32], sizes = [1, 32], strides = [1, 1]} : vector<1x128xf32> to vector<1x32xf32>
      %dot_general3A_163 = arith.constant dense<0.000000e+00> : vector<1x128xf32>
      %dot_general3A_164 = tpu.matmul %slice3A_162, %get3A_143, %dot_general3A_163 {dimension_numbers = #tpu.dot_dimension_numbers<[1], [0], [0], [1], [0, 0, 1, 1], [], []>, transpose_lhs_hint = false} : vector<1x32xf32>, vector<32x128xf32>, vector<1x128xf32> -> vector<1x128xf32>
      %slice3A_165 = vector.extract_strided_slice %get3A_156 {offsets = [0, 0], sizes = [1, 32], strides = [1, 1]} : vector<1x128xf32> to vector<1x32xf32>
      %dot_general3A_166 = arith.constant dense<0.000000e+00> : vector<1x128xf32>
      %dot_general3A_167 = tpu.matmul %slice3A_165, %get3A_148, %dot_general3A_166 {dimension_numbers = #tpu.dot_dimension_numbers<[1], [0], [0], [1], [0, 0, 1, 1], [], []>, transpose_lhs_hint = false} : vector<1x32xf32>, vector<32x128xf32>, vector<1x128xf32> -> vector<1x128xf32>
      %slice3A_168 = vector.extract_strided_slice %get3A_156 {offsets = [0, 32], sizes = [1, 32], strides = [1, 1]} : vector<1x128xf32> to vector<1x32xf32>
      %dot_general3A_169 = arith.constant dense<0.000000e+00> : vector<1x128xf32>
      %dot_general3A_170 = tpu.matmul %slice3A_168, %get3A_148, %dot_general3A_169 {dimension_numbers = #tpu.dot_dimension_numbers<[1], [0], [0], [1], [0, 0, 1, 1], [], []>, transpose_lhs_hint = false} : vector<1x32xf32>, vector<32x128xf32>, vector<1x128xf32> -> vector<1x128xf32>
      %slice3A_171 = vector.extract_strided_slice %dot_general3A_161 {offsets = [0, 0], sizes = [1, 64], strides = [1, 1]} : vector<1x128xf32> to vector<1x64xf32>
      %slice3A_172 = vector.extract_strided_slice %dot_general3A_164 {offsets = [0, 64], sizes = [1, 64], strides = [1, 1]} : vector<1x128xf32> to vector<1x64xf32>
      %add3A_173 = arith.addf %slice3A_171, %slice3A_172 : vector<1x64xf32>
      %mul3A_174 = arith.mulf %add3A_173, %slice3A_157 : vector<1x64xf32>
      %slice3A_175 = vector.extract_strided_slice %dot_general3A_167 {offsets = [0, 0], sizes = [1, 64], strides = [1, 1]} : vector<1x128xf32> to vector<1x64xf32>
      %slice3A_176 = vector.extract_strided_slice %dot_general3A_170 {offsets = [0, 64], sizes = [1, 64], strides = [1, 1]} : vector<1x128xf32> to vector<1x64xf32>
      %add3A_177 = arith.addf %slice3A_175, %slice3A_176 : vector<1x64xf32>
      %mul3A_178 = arith.mulf %add3A_177, %slice3A_158 : vector<1x64xf32>
      %sub3A_179 = arith.subf %mul3A_178, %mul3A_174 : vector<1x64xf32>
      %swap3A_180 = arith.index_cast %add3A_134 : i32 to index
      %swap3A_181 = arith.constant 0 : index
      %swap3A_182 = vector.load %arg9[%swap3A_180, %swap3A_181] : memref<4096x64xf32, #tpu.memory_space<vmem>>, vector<1x64xf32>
      tpu.vector_store %arg9[%swap3A_180, %swap3A_181], %sub3A_179 {strides = array<i32>} : memref<4096x64xf32, #tpu.memory_space<vmem>>, vector<1x64xf32>,
      %add3A_183 = arith.constant 2 : i32
      %add3A_184 = arith.addi %mul3A_84, %add3A_183 : i32
      %get3A_185 = arith.index_cast %add3A_184 : i32 to index
      %get3A_186 = memref.load %arg0[%get3A_185] : memref<4096xi32, #tpu.memory_space<smem>>
      %get3A_187 = arith.index_cast %add3A_184 : i32 to index
      %get3A_188 = memref.load %arg1[%get3A_187] : memref<4096xi32, #tpu.memory_space<smem>>
      %mul3A_189 = arith.constant 32 : i32
      %mul3A_190 = arith.muli %get3A_186, %mul3A_189 : i32
      %get3A_191 = arith.index_cast %mul3A_190 : i32 to index
      %get3A_192 = arith.constant 0 : index
      %get3A_193 = vector.load %arg6[%get3A_191, %get3A_192] : memref<32000x128xf32, #tpu.memory_space<vmem>>, vector<32x128xf32>
      %mul3A_194 = arith.constant 32 : i32
      %mul3A_195 = arith.muli %get3A_188, %mul3A_194 : i32
      %get3A_196 = arith.index_cast %mul3A_195 : i32 to index
      %get3A_197 = arith.constant 0 : index
      %get3A_198 = vector.load %arg6[%get3A_196, %get3A_197] : memref<32000x128xf32, #tpu.memory_space<vmem>>, vector<32x128xf32>
      %get3A_199 = arith.index_cast %add3A_184 : i32 to index
      %get3A_200 = arith.constant 0 : index
      %get3A_201 = vector.load %arg8[%get3A_199, %get3A_200] : memref<8192x128xf32, #tpu.memory_space<vmem>>, vector<1x128xf32>
      %add3A_202 = arith.constant 4096 : i32
      %add3A_203 = arith.addi %add3A_202, %add3A_184 : i32
      %get3A_204 = arith.index_cast %add3A_203 : i32 to index
      %get3A_205 = arith.constant 0 : index
      %get3A_206 = vector.load %arg8[%get3A_204, %get3A_205] : memref<8192x128xf32, #tpu.memory_space<vmem>>, vector<1x128xf32>
      %slice3A_207 = vector.extract_strided_slice %get3A_201 {offsets = [0, 64], sizes = [1, 64], strides = [1, 1]} : vector<1x128xf32> to vector<1x64xf32>
      %slice3A_208 = vector.extract_strided_slice %get3A_206 {offsets = [0, 64], sizes = [1, 64], strides = [1, 1]} : vector<1x128xf32> to vector<1x64xf32>
      %slice3A_209 = vector.extract_strided_slice %get3A_201 {offsets = [0, 0], sizes = [1, 32], strides = [1, 1]} : vector<1x128xf32> to vector<1x32xf32>
      %dot_general3A_210 = arith.constant dense<0.000000e+00> : vector<1x128xf32>
      %dot_general3A_211 = tpu.matmul %slice3A_209, %get3A_193, %dot_general3A_210 {dimension_numbers = #tpu.dot_dimension_numbers<[1], [0], [0], [1], [0, 0, 1, 1], [], []>, transpose_lhs_hint = false} : vector<1x32xf32>, vector<32x128xf32>, vector<1x128xf32> -> vector<1x128xf32>
      %slice3A_212 = vector.extract_strided_slice %get3A_201 {offsets = [0, 32], sizes = [1, 32], strides = [1, 1]} : vector<1x128xf32> to vector<1x32xf32>
      %dot_general3A_213 = arith.constant dense<0.000000e+00> : vector<1x128xf32>
      %dot_general3A_214 = tpu.matmul %slice3A_212, %get3A_193, %dot_general3A_213 {dimension_numbers = #tpu.dot_dimension_numbers<[1], [0], [0], [1], [0, 0, 1, 1], [], []>, transpose_lhs_hint = false} : vector<1x32xf32>, vector<32x128xf32>, vector<1x128xf32> -> vector<1x128xf32>
      %slice3A_215 = vector.extract_strided_slice %get3A_206 {offsets = [0, 0], sizes = [1, 32], strides = [1, 1]} : vector<1x128xf32> to vector<1x32xf32>
      %dot_general3A_216 = arith.constant dense<0.000000e+00> : vector<1x128xf32>
      %dot_general3A_217 = tpu.matmul %slice3A_215, %get3A_198, %dot_general3A_216 {dimension_numbers = #tpu.dot_dimension_numbers<[1], [0], [0], [1], [0, 0, 1, 1], [], []>, transpose_lhs_hint = false} : vector<1x32xf32>, vector<32x128xf32>, vector<1x128xf32> -> vector<1x128xf32>
      %slice3A_218 = vector.extract_strided_slice %get3A_206 {offsets = [0, 32], sizes = [1, 32], strides = [1, 1]} : vector<1x128xf32> to vector<1x32xf32>
      %dot_general3A_219 = arith.constant dense<0.000000e+00> : vector<1x128xf32>
      %dot_general3A_220 = tpu.matmul %slice3A_218, %get3A_198, %dot_general3A_219 {dimension_numbers = #tpu.dot_dimension_numbers<[1], [0], [0], [1], [0, 0, 1, 1], [], []>, transpose_lhs_hint = false} : vector<1x32xf32>, vector<32x128xf32>, vector<1x128xf32> -> vector<1x128xf32>
      %slice3A_221 = vector.extract_strided_slice %dot_general3A_211 {offsets = [0, 0], sizes = [1, 64], strides = [1, 1]} : vector<1x128xf32> to vector<1x64xf32>
      %slice3A_222 = vector.extract_strided_slice %dot_general3A_214 {offsets = [0, 64], sizes = [1, 64], strides = [1, 1]} : vector<1x128xf32> to vector<1x64xf32>
      %add3A_223 = arith.addf %slice3A_221, %slice3A_222 : vector<1x64xf32>
      %mul3A_224 = arith.mulf %add3A_223, %slice3A_207 : vector<1x64xf32>
      %slice3A_225 = vector.extract_strided_slice %dot_general3A_217 {offsets = [0, 0], sizes = [1, 64], strides = [1, 1]} : vector<1x128xf32> to vector<1x64xf32>
      %slice3A_226 = vector.extract_strided_slice %dot_general3A_220 {offsets = [0, 64], sizes = [1, 64], strides = [1, 1]} : vector<1x128xf32> to vector<1x64xf32>
      %add3A_227 = arith.addf %slice3A_225, %slice3A_226 : vector<1x64xf32>
      %mul3A_228 = arith.mulf %add3A_227, %slice3A_208 : vector<1x64xf32>
      %sub3A_229 = arith.subf %mul3A_228, %mul3A_224 : vector<1x64xf32>
      %swap3A_230 = arith.index_cast %add3A_184 : i32 to index
      %swap3A_231 = arith.constant 0 : index
      %swap3A_232 = vector.load %arg9[%swap3A_230, %swap3A_231] : memref<4096x64xf32, #tpu.memory_space<vmem>>, vector<1x64xf32>
      tpu.vector_store %arg9[%swap3A_230, %swap3A_231], %sub3A_229 {strides = array<i32>} : memref<4096x64xf32, #tpu.memory_space<vmem>>, vector<1x64xf32>,
      %add3A_233 = arith.constant 3 : i32
      %add3A_234 = arith.addi %mul3A_84, %add3A_233 : i32
      %get3A_235 = arith.index_cast %add3A_234 : i32 to index
      %get3A_236 = memref.load %arg0[%get3A_235] : memref<4096xi32, #tpu.memory_space<smem>>
      %get3A_237 = arith.index_cast %add3A_234 : i32 to index
      %get3A_238 = memref.load %arg1[%get3A_237] : memref<4096xi32, #tpu.memory_space<smem>>
      %mul3A_239 = arith.constant 32 : i32
      %mul3A_240 = arith.muli %get3A_236, %mul3A_239 : i32
      %get3A_241 = arith.index_cast %mul3A_240 : i32 to index
      %get3A_242 = arith.constant 0 : index
      %get3A_243 = vector.load %arg6[%get3A_241, %get3A_242] : memref<32000x128xf32, #tpu.memory_space<vmem>>, vector<32x128xf32>
      %mul3A_244 = arith.constant 32 : i32
      %mul3A_245 = arith.muli %get3A_238, %mul3A_244 : i32
      %get3A_246 = arith.index_cast %mul3A_245 : i32 to index
      %get3A_247 = arith.constant 0 : index
      %get3A_248 = vector.load %arg6[%get3A_246, %get3A_247] : memref<32000x128xf32, #tpu.memory_space<vmem>>, vector<32x128xf32>
      %get3A_249 = arith.index_cast %add3A_234 : i32 to index
      %get3A_250 = arith.constant 0 : index
      %get3A_251 = vector.load %arg8[%get3A_249, %get3A_250] : memref<8192x128xf32, #tpu.memory_space<vmem>>, vector<1x128xf32>
      %add3A_252 = arith.constant 4096 : i32
      %add3A_253 = arith.addi %add3A_252, %add3A_234 : i32
      %get3A_254 = arith.index_cast %add3A_253 : i32 to index
      %get3A_255 = arith.constant 0 : index
      %get3A_256 = vector.load %arg8[%get3A_254, %get3A_255] : memref<8192x128xf32, #tpu.memory_space<vmem>>, vector<1x128xf32>
      %slice3A_257 = vector.extract_strided_slice %get3A_251 {offsets = [0, 64], sizes = [1, 64], strides = [1, 1]} : vector<1x128xf32> to vector<1x64xf32>
      %slice3A_258 = vector.extract_strided_slice %get3A_256 {offsets = [0, 64], sizes = [1, 64], strides = [1, 1]} : vector<1x128xf32> to vector<1x64xf32>
      %slice3A_259 = vector.extract_strided_slice %get3A_251 {offsets = [0, 0], sizes = [1, 32], strides = [1, 1]} : vector<1x128xf32> to vector<1x32xf32>
      %dot_general3A_260 = arith.constant dense<0.000000e+00> : vector<1x128xf32>
      %dot_general3A_261 = tpu.matmul %slice3A_259, %get3A_243, %dot_general3A_260 {dimension_numbers = #tpu.dot_dimension_numbers<[1], [0], [0], [1], [0, 0, 1, 1], [], []>, transpose_lhs_hint = false} : vector<1x32xf32>, vector<32x128xf32>, vector<1x128xf32> -> vector<1x128xf32>
      %slice3A_262 = vector.extract_strided_slice %get3A_251 {offsets = [0, 32], sizes = [1, 32], strides = [1, 1]} : vector<1x128xf32> to vector<1x32xf32>
      %dot_general3A_263 = arith.constant dense<0.000000e+00> : vector<1x128xf32>
      %dot_general3A_264 = tpu.matmul %slice3A_262, %get3A_243, %dot_general3A_263 {dimension_numbers = #tpu.dot_dimension_numbers<[1], [0], [0], [1], [0, 0, 1, 1], [], []>, transpose_lhs_hint = false} : vector<1x32xf32>, vector<32x128xf32>, vector<1x128xf32> -> vector<1x128xf32>
      %slice3A_265 = vector.extract_strided_slice %get3A_256 {offsets = [0, 0], sizes = [1, 32], strides = [1, 1]} : vector<1x128xf32> to vector<1x32xf32>
      %dot_general3A_266 = arith.constant dense<0.000000e+00> : vector<1x128xf32>
      %dot_general3A_267 = tpu.matmul %slice3A_265, %get3A_248, %dot_general3A_266 {dimension_numbers = #tpu.dot_dimension_numbers<[1], [0], [0], [1], [0, 0, 1, 1], [], []>, transpose_lhs_hint = false} : vector<1x32xf32>, vector<32x128xf32>, vector<1x128xf32> -> vector<1x128xf32>
      %slice3A_268 = vector.extract_strided_slice %get3A_256 {offsets = [0, 32], sizes = [1, 32], strides = [1, 1]} : vector<1x128xf32> to vector<1x32xf32>
      %dot_general3A_269 = arith.constant dense<0.000000e+00> : vector<1x128xf32>
      %dot_general3A_270 = tpu.matmul %slice3A_268, %get3A_248, %dot_general3A_269 {dimension_numbers = #tpu.dot_dimension_numbers<[1], [0], [0], [1], [0, 0, 1, 1], [], []>, transpose_lhs_hint = false} : vector<1x32xf32>, vector<32x128xf32>, vector<1x128xf32> -> vector<1x128xf32>
      %slice3A_271 = vector.extract_strided_slice %dot_general3A_261 {offsets = [0, 0], sizes = [1, 64], strides = [1, 1]} : vector<1x128xf32> to vector<1x64xf32>
      %slice3A_272 = vector.extract_strided_slice %dot_general3A_264 {offsets = [0, 64], sizes = [1, 64], strides = [1, 1]} : vector<1x128xf32> to vector<1x64xf32>
      %add3A_273 = arith.addf %slice3A_271, %slice3A_272 : vector<1x64xf32>
      %mul3A_274 = arith.mulf %add3A_273, %slice3A_257 : vector<1x64xf32>
      %slice3A_275 = vector.extract_strided_slice %dot_general3A_267 {offsets = [0, 0], sizes = [1, 64], strides = [1, 1]} : vector<1x128xf32> to vector<1x64xf32>
      %slice3A_276 = vector.extract_strided_slice %dot_general3A_270 {offsets = [0, 64], sizes = [1, 64], strides = [1, 1]} : vector<1x128xf32> to vector<1x64xf32>
      %add3A_277 = arith.addf %slice3A_275, %slice3A_276 : vector<1x64xf32>
      %mul3A_278 = arith.mulf %add3A_277, %slice3A_258 : vector<1x64xf32>
      %sub3A_279 = arith.subf %mul3A_278, %mul3A_274 : vector<1x64xf32>
      %swap3A_280 = arith.index_cast %add3A_234 : i32 to index
      %swap3A_281 = arith.constant 0 : index
      %swap3A_282 = vector.load %arg9[%swap3A_280, %swap3A_281] : memref<4096x64xf32, #tpu.memory_space<vmem>>, vector<1x64xf32>
      tpu.vector_store %arg9[%swap3A_280, %swap3A_281], %sub3A_279 {strides = array<i32>} : memref<4096x64xf32, #tpu.memory_space<vmem>>, vector<1x64xf32>,
      %add3A_283 = arith.constant 4 : i32
      %add3A_284 = arith.addi %mul3A_84, %add3A_283 : i32
      %get3A_285 = arith.index_cast %add3A_284 : i32 to index
      %get3A_286 = memref.load %arg0[%get3A_285] : memref<4096xi32, #tpu.memory_space<smem>>
      %get3A_287 = arith.index_cast %add3A_284 : i32 to index
      %get3A_288 = memref.load %arg1[%get3A_287] : memref<4096xi32, #tpu.memory_space<smem>>
      %mul3A_289 = arith.constant 32 : i32
      %mul3A_290 = arith.muli %get3A_286, %mul3A_289 : i32
      %get3A_291 = arith.index_cast %mul3A_290 : i32 to index
      %get3A_292 = arith.constant 0 : index
      %get3A_293 = vector.load %arg6[%get3A_291, %get3A_292] : memref<32000x128xf32, #tpu.memory_space<vmem>>, vector<32x128xf32>
      %mul3A_294 = arith.constant 32 : i32
      %mul3A_295 = arith.muli %get3A_288, %mul3A_294 : i32
      %get3A_296 = arith.index_cast %mul3A_295 : i32 to index
      %get3A_297 = arith.constant 0 : index
      %get3A_298 = vector.load %arg6[%get3A_296, %get3A_297] : memref<32000x128xf32, #tpu.memory_space<vmem>>, vector<32x128xf32>
      %get3A_299 = arith.index_cast %add3A_284 : i32 to index
      %get3A_300 = arith.constant 0 : index
      %get3A_301 = vector.load %arg8[%get3A_299, %get3A_300] : memref<8192x128xf32, #tpu.memory_space<vmem>>, vector<1x128xf32>
      %add3A_302 = arith.constant 4096 : i32
      %add3A_303 = arith.addi %add3A_302, %add3A_284 : i32
      %get3A_304 = arith.index_cast %add3A_303 : i32 to index
      %get3A_305 = arith.constant 0 : index
      %get3A_306 = vector.load %arg8[%get3A_304, %get3A_305] : memref<8192x128xf32, #tpu.memory_space<vmem>>, vector<1x128xf32>
      %slice3A_307 = vector.extract_strided_slice %get3A_301 {offsets = [0, 64], sizes = [1, 64], strides = [1, 1]} : vector<1x128xf32> to vector<1x64xf32>
      %slice3A_308 = vector.extract_strided_slice %get3A_306 {offsets = [0, 64], sizes = [1, 64], strides = [1, 1]} : vector<1x128xf32> to vector<1x64xf32>
      %slice3A_309 = vector.extract_strided_slice %get3A_301 {offsets = [0, 0], sizes = [1, 32], strides = [1, 1]} : vector<1x128xf32> to vector<1x32xf32>
      %dot_general3A_310 = arith.constant dense<0.000000e+00> : vector<1x128xf32>
      %dot_general3A_311 = tpu.matmul %slice3A_309, %get3A_293, %dot_general3A_310 {dimension_numbers = #tpu.dot_dimension_numbers<[1], [0], [0], [1], [0, 0, 1, 1], [], []>, transpose_lhs_hint = false} : vector<1x32xf32>, vector<32x128xf32>, vector<1x128xf32> -> vector<1x128xf32>
      %slice3A_312 = vector.extract_strided_slice %get3A_301 {offsets = [0, 32], sizes = [1, 32], strides = [1, 1]} : vector<1x128xf32> to vector<1x32xf32>
      %dot_general3A_313 = arith.constant dense<0.000000e+00> : vector<1x128xf32>
      %dot_general3A_314 = tpu.matmul %slice3A_312, %get3A_293, %dot_general3A_313 {dimension_numbers = #tpu.dot_dimension_numbers<[1], [0], [0], [1], [0, 0, 1, 1], [], []>, transpose_lhs_hint = false} : vector<1x32xf32>, vector<32x128xf32>, vector<1x128xf32> -> vector<1x128xf32>
      %slice3A_315 = vector.extract_strided_slice %get3A_306 {offsets = [0, 0], sizes = [1, 32], strides = [1, 1]} : vector<1x128xf32> to vector<1x32xf32>
      %dot_general3A_316 = arith.constant dense<0.000000e+00> : vector<1x128xf32>
      %dot_general3A_317 = tpu.matmul %slice3A_315, %get3A_298, %dot_general3A_316 {dimension_numbers = #tpu.dot_dimension_numbers<[1], [0], [0], [1], [0, 0, 1, 1], [], []>, transpose_lhs_hint = false} : vector<1x32xf32>, vector<32x128xf32>, vector<1x128xf32> -> vector<1x128xf32>
      %slice3A_318 = vector.extract_strided_slice %get3A_306 {offsets = [0, 32], sizes = [1, 32], strides = [1, 1]} : vector<1x128xf32> to vector<1x32xf32>
      %dot_general3A_319 = arith.constant dense<0.000000e+00> : vector<1x128xf32>
      %dot_general3A_320 = tpu.matmul %slice3A_318, %get3A_298, %dot_general3A_319 {dimension_numbers = #tpu.dot_dimension_numbers<[1], [0], [0], [1], [0, 0, 1, 1], [], []>, transpose_lhs_hint = false} : vector<1x32xf32>, vector<32x128xf32>, vector<1x128xf32> -> vector<1x128xf32>
      %slice3A_321 = vector.extract_strided_slice %dot_general3A_311 {offsets = [0, 0], sizes = [1, 64], strides = [1, 1]} : vector<1x128xf32> to vector<1x64xf32>
      %slice3A_322 = vector.extract_strided_slice %dot_general3A_314 {offsets = [0, 64], sizes = [1, 64], strides = [1, 1]} : vector<1x128xf32> to vector<1x64xf32>
      %add3A_323 = arith.addf %slice3A_321, %slice3A_322 : vector<1x64xf32>
      %mul3A_324 = arith.mulf %add3A_323, %slice3A_307 : vector<1x64xf32>
      %slice3A_325 = vector.extract_strided_slice %dot_general3A_317 {offsets = [0, 0], sizes = [1, 64], strides = [1, 1]} : vector<1x128xf32> to vector<1x64xf32>
      %slice3A_326 = vector.extract_strided_slice %dot_general3A_320 {offsets = [0, 64], sizes = [1, 64], strides = [1, 1]} : vector<1x128xf32> to vector<1x64xf32>
      %add3A_327 = arith.addf %slice3A_325, %slice3A_326 : vector<1x64xf32>
      %mul3A_328 = arith.mulf %add3A_327, %slice3A_308 : vector<1x64xf32>
      %sub3A_329 = arith.subf %mul3A_328, %mul3A_324 : vector<1x64xf32>
      %swap3A_330 = arith.index_cast %add3A_284 : i32 to index
      %swap3A_331 = arith.constant 0 : index
      %swap3A_332 = vector.load %arg9[%swap3A_330, %swap3A_331] : memref<4096x64xf32, #tpu.memory_space<vmem>>, vector<1x64xf32>
      tpu.vector_store %arg9[%swap3A_330, %swap3A_331], %sub3A_329 {strides = array<i32>} : memref<4096x64xf32, #tpu.memory_space<vmem>>, vector<1x64xf32>,
      %add3A_333 = arith.constant 5 : i32
      %add3A_334 = arith.addi %mul3A_84, %add3A_333 : i32
      %get3A_335 = arith.index_cast %add3A_334 : i32 to index
      %get3A_336 = memref.load %arg0[%get3A_335] : memref<4096xi32, #tpu.memory_space<smem>>
      %get3A_337 = arith.index_cast %add3A_334 : i32 to index
      %get3A_338 = memref.load %arg1[%get3A_337] : memref<4096xi32, #tpu.memory_space<smem>>
      %mul3A_339 = arith.constant 32 : i32
      %mul3A_340 = arith.muli %get3A_336, %mul3A_339 : i32
      %get3A_341 = arith.index_cast %mul3A_340 : i32 to index
      %get3A_342 = arith.constant 0 : index
      %get3A_343 = vector.load %arg6[%get3A_341, %get3A_342] : memref<32000x128xf32, #tpu.memory_space<vmem>>, vector<32x128xf32>
      %mul3A_344 = arith.constant 32 : i32
      %mul3A_345 = arith.muli %get3A_338, %mul3A_344 : i32
      %get3A_346 = arith.index_cast %mul3A_345 : i32 to index
      %get3A_347 = arith.constant 0 : index
      %get3A_348 = vector.load %arg6[%get3A_346, %get3A_347] : memref<32000x128xf32, #tpu.memory_space<vmem>>, vector<32x128xf32>
      %get3A_349 = arith.index_cast %add3A_334 : i32 to index
      %get3A_350 = arith.constant 0 : index
      %get3A_351 = vector.load %arg8[%get3A_349, %get3A_350] : memref<8192x128xf32, #tpu.memory_space<vmem>>, vector<1x128xf32>
      %add3A_352 = arith.constant 4096 : i32
      %add3A_353 = arith.addi %add3A_352, %add3A_334 : i32
      %get3A_354 = arith.index_cast %add3A_353 : i32 to index
      %get3A_355 = arith.constant 0 : index
      %get3A_356 = vector.load %arg8[%get3A_354, %get3A_355] : memref<8192x128xf32, #tpu.memory_space<vmem>>, vector<1x128xf32>
      %slice3A_357 = vector.extract_strided_slice %get3A_351 {offsets = [0, 64], sizes = [1, 64], strides = [1, 1]} : vector<1x128xf32> to vector<1x64xf32>
      %slice3A_358 = vector.extract_strided_slice %get3A_356 {offsets = [0, 64], sizes = [1, 64], strides = [1, 1]} : vector<1x128xf32> to vector<1x64xf32>
      %slice3A_359 = vector.extract_strided_slice %get3A_351 {offsets = [0, 0], sizes = [1, 32], strides = [1, 1]} : vector<1x128xf32> to vector<1x32xf32>
      %dot_general3A_360 = arith.constant dense<0.000000e+00> : vector<1x128xf32>
      %dot_general3A_361 = tpu.matmul %slice3A_359, %get3A_343, %dot_general3A_360 {dimension_numbers = #tpu.dot_dimension_numbers<[1], [0], [0], [1], [0, 0, 1, 1], [], []>, transpose_lhs_hint = false} : vector<1x32xf32>, vector<32x128xf32>, vector<1x128xf32> -> vector<1x128xf32>
      %slice3A_362 = vector.extract_strided_slice %get3A_351 {offsets = [0, 32], sizes = [1, 32], strides = [1, 1]} : vector<1x128xf32> to vector<1x32xf32>
      %dot_general3A_363 = arith.constant dense<0.000000e+00> : vector<1x128xf32>
      %dot_general3A_364 = tpu.matmul %slice3A_362, %get3A_343, %dot_general3A_363 {dimension_numbers = #tpu.dot_dimension_numbers<[1], [0], [0], [1], [0, 0, 1, 1], [], []>, transpose_lhs_hint = false} : vector<1x32xf32>, vector<32x128xf32>, vector<1x128xf32> -> vector<1x128xf32>
      %slice3A_365 = vector.extract_strided_slice %get3A_356 {offsets = [0, 0], sizes = [1, 32], strides = [1, 1]} : vector<1x128xf32> to vector<1x32xf32>
      %dot_general3A_366 = arith.constant dense<0.000000e+00> : vector<1x128xf32>
      %dot_general3A_367 = tpu.matmul %slice3A_365, %get3A_348, %dot_general3A_366 {dimension_numbers = #tpu.dot_dimension_numbers<[1], [0], [0], [1], [0, 0, 1, 1], [], []>, transpose_lhs_hint = false} : vector<1x32xf32>, vector<32x128xf32>, vector<1x128xf32> -> vector<1x128xf32>
      %slice3A_368 = vector.extract_strided_slice %get3A_356 {offsets = [0, 32], sizes = [1, 32], strides = [1, 1]} : vector<1x128xf32> to vector<1x32xf32>
      %dot_general3A_369 = arith.constant dense<0.000000e+00> : vector<1x128xf32>
      %dot_general3A_370 = tpu.matmul %slice3A_368, %get3A_348, %dot_general3A_369 {dimension_numbers = #tpu.dot_dimension_numbers<[1], [0], [0], [1], [0, 0, 1, 1], [], []>, transpose_lhs_hint = false} : vector<1x32xf32>, vector<32x128xf32>, vector<1x128xf32> -> vector<1x128xf32>
      %slice3A_371 = vector.extract_strided_slice %dot_general3A_361 {offsets = [0, 0], sizes = [1, 64], strides = [1, 1]} : vector<1x128xf32> to vector<1x64xf32>
      %slice3A_372 = vector.extract_strided_slice %dot_general3A_364 {offsets = [0, 64], sizes = [1, 64], strides = [1, 1]} : vector<1x128xf32> to vector<1x64xf32>
      %add3A_373 = arith.addf %slice3A_371, %slice3A_372 : vector<1x64xf32>
      %mul3A_374 = arith.mulf %add3A_373, %slice3A_357 : vector<1x64xf32>
      %slice3A_375 = vector.extract_strided_slice %dot_general3A_367 {offsets = [0, 0], sizes = [1, 64], strides = [1, 1]} : vector<1x128xf32> to vector<1x64xf32>
      %slice3A_376 = vector.extract_strided_slice %dot_general3A_370 {offsets = [0, 64], sizes = [1, 64], strides = [1, 1]} : vector<1x128xf32> to vector<1x64xf32>
      %add3A_377 = arith.addf %slice3A_375, %slice3A_376 : vector<1x64xf32>
      %mul3A_378 = arith.mulf %add3A_377, %slice3A_358 : vector<1x64xf32>
      %sub3A_379 = arith.subf %mul3A_378, %mul3A_374 : vector<1x64xf32>
      %swap3A_380 = arith.index_cast %add3A_334 : i32 to index
      %swap3A_381 = arith.constant 0 : index
      %swap3A_382 = vector.load %arg9[%swap3A_380, %swap3A_381] : memref<4096x64xf32, #tpu.memory_space<vmem>>, vector<1x64xf32>
      tpu.vector_store %arg9[%swap3A_380, %swap3A_381], %sub3A_379 {strides = array<i32>} : memref<4096x64xf32, #tpu.memory_space<vmem>>, vector<1x64xf32>,
      %add3A_383 = arith.constant 6 : i32
      %add3A_384 = arith.addi %mul3A_84, %add3A_383 : i32
      %get3A_385 = arith.index_cast %add3A_384 : i32 to index
      %get3A_386 = memref.load %arg0[%get3A_385] : memref<4096xi32, #tpu.memory_space<smem>>
      %get3A_387 = arith.index_cast %add3A_384 : i32 to index
      %get3A_388 = memref.load %arg1[%get3A_387] : memref<4096xi32, #tpu.memory_space<smem>>
      %mul3A_389 = arith.constant 32 : i32
      %mul3A_390 = arith.muli %get3A_386, %mul3A_389 : i32
      %get3A_391 = arith.index_cast %mul3A_390 : i32 to index
      %get3A_392 = arith.constant 0 : index
      %get3A_393 = vector.load %arg6[%get3A_391, %get3A_392] : memref<32000x128xf32, #tpu.memory_space<vmem>>, vector<32x128xf32>
      %mul3A_394 = arith.constant 32 : i32
      %mul3A_395 = arith.muli %get3A_388, %mul3A_394 : i32
      %get3A_396 = arith.index_cast %mul3A_395 : i32 to index
      %get3A_397 = arith.constant 0 : index
      %get3A_398 = vector.load %arg6[%get3A_396, %get3A_397] : memref<32000x128xf32, #tpu.memory_space<vmem>>, vector<32x128xf32>
      %get3A_399 = arith.index_cast %add3A_384 : i32 to index
      %get3A_400 = arith.constant 0 : index
      %get3A_401 = vector.load %arg8[%get3A_399, %get3A_400] : memref<8192x128xf32, #tpu.memory_space<vmem>>, vector<1x128xf32>
      %add3A_402 = arith.constant 4096 : i32
      %add3A_403 = arith.addi %add3A_402, %add3A_384 : i32
      %get3A_404 = arith.index_cast %add3A_403 : i32 to index
      %get3A_405 = arith.constant 0 : index
      %get3A_406 = vector.load %arg8[%get3A_404, %get3A_405] : memref<8192x128xf32, #tpu.memory_space<vmem>>, vector<1x128xf32>
      %slice3A_407 = vector.extract_strided_slice %get3A_401 {offsets = [0, 64], sizes = [1, 64], strides = [1, 1]} : vector<1x128xf32> to vector<1x64xf32>
      %slice3A_408 = vector.extract_strided_slice %get3A_406 {offsets = [0, 64], sizes = [1, 64], strides = [1, 1]} : vector<1x128xf32> to vector<1x64xf32>
      %slice3A_409 = vector.extract_strided_slice %get3A_401 {offsets = [0, 0], sizes = [1, 32], strides = [1, 1]} : vector<1x128xf32> to vector<1x32xf32>
      %dot_general3A_410 = arith.constant dense<0.000000e+00> : vector<1x128xf32>
      %dot_general3A_411 = tpu.matmul %slice3A_409, %get3A_393, %dot_general3A_410 {dimension_numbers = #tpu.dot_dimension_numbers<[1], [0], [0], [1], [0, 0, 1, 1], [], []>, transpose_lhs_hint = false} : vector<1x32xf32>, vector<32x128xf32>, vector<1x128xf32> -> vector<1x128xf32>
      %slice3A_412 = vector.extract_strided_slice %get3A_401 {offsets = [0, 32], sizes = [1, 32], strides = [1, 1]} : vector<1x128xf32> to vector<1x32xf32>
      %dot_general3A_413 = arith.constant dense<0.000000e+00> : vector<1x128xf32>
      %dot_general3A_414 = tpu.matmul %slice3A_412, %get3A_393, %dot_general3A_413 {dimension_numbers = #tpu.dot_dimension_numbers<[1], [0], [0], [1], [0, 0, 1, 1], [], []>, transpose_lhs_hint = false} : vector<1x32xf32>, vector<32x128xf32>, vector<1x128xf32> -> vector<1x128xf32>
      %slice3A_415 = vector.extract_strided_slice %get3A_406 {offsets = [0, 0], sizes = [1, 32], strides = [1, 1]} : vector<1x128xf32> to vector<1x32xf32>
      %dot_general3A_416 = arith.constant dense<0.000000e+00> : vector<1x128xf32>
      %dot_general3A_417 = tpu.matmul %slice3A_415, %get3A_398, %dot_general3A_416 {dimension_numbers = #tpu.dot_dimension_numbers<[1], [0], [0], [1], [0, 0, 1, 1], [], []>, transpose_lhs_hint = false} : vector<1x32xf32>, vector<32x128xf32>, vector<1x128xf32> -> vector<1x128xf32>
      %slice3A_418 = vector.extract_strided_slice %get3A_406 {offsets = [0, 32], sizes = [1, 32], strides = [1, 1]} : vector<1x128xf32> to vector<1x32xf32>
      %dot_general3A_419 = arith.constant dense<0.000000e+00> : vector<1x128xf32>
      %dot_general3A_420 = tpu.matmul %slice3A_418, %get3A_398, %dot_general3A_419 {dimension_numbers = #tpu.dot_dimension_numbers<[1], [0], [0], [1], [0, 0, 1, 1], [], []>, transpose_lhs_hint = false} : vector<1x32xf32>, vector<32x128xf32>, vector<1x128xf32> -> vector<1x128xf32>
      %slice3A_421 = vector.extract_strided_slice %dot_general3A_411 {offsets = [0, 0], sizes = [1, 64], strides = [1, 1]} : vector<1x128xf32> to vector<1x64xf32>
      %slice3A_422 = vector.extract_strided_slice %dot_general3A_414 {offsets = [0, 64], sizes = [1, 64], strides = [1, 1]} : vector<1x128xf32> to vector<1x64xf32>
      %add3A_423 = arith.addf %slice3A_421, %slice3A_422 : vector<1x64xf32>
      %mul3A_424 = arith.mulf %add3A_423, %slice3A_407 : vector<1x64xf32>
      %slice3A_425 = vector.extract_strided_slice %dot_general3A_417 {offsets = [0, 0], sizes = [1, 64], strides = [1, 1]} : vector<1x128xf32> to vector<1x64xf32>
      %slice3A_426 = vector.extract_strided_slice %dot_general3A_420 {offsets = [0, 64], sizes = [1, 64], strides = [1, 1]} : vector<1x128xf32> to vector<1x64xf32>
      %add3A_427 = arith.addf %slice3A_425, %slice3A_426 : vector<1x64xf32>
      %mul3A_428 = arith.mulf %add3A_427, %slice3A_408 : vector<1x64xf32>
      %sub3A_429 = arith.subf %mul3A_428, %mul3A_424 : vector<1x64xf32>
      %swap3A_430 = arith.index_cast %add3A_384 : i32 to index
      %swap3A_431 = arith.constant 0 : index
      %swap3A_432 = vector.load %arg9[%swap3A_430, %swap3A_431] : memref<4096x64xf32, #tpu.memory_space<vmem>>, vector<1x64xf32>
      tpu.vector_store %arg9[%swap3A_430, %swap3A_431], %sub3A_429 {strides = array<i32>} : memref<4096x64xf32, #tpu.memory_space<vmem>>, vector<1x64xf32>,
      %add3A_433 = arith.constant 7 : i32
      %add3A_434 = arith.addi %mul3A_84, %add3A_433 : i32
      %get3A_435 = arith.index_cast %add3A_434 : i32 to index
      %get3A_436 = memref.load %arg0[%get3A_435] : memref<4096xi32, #tpu.memory_space<smem>>
      %get3A_437 = arith.index_cast %add3A_434 : i32 to index
      %get3A_438 = memref.load %arg1[%get3A_437] : memref<4096xi32, #tpu.memory_space<smem>>
      %mul3A_439 = arith.constant 32 : i32
      %mul3A_440 = arith.muli %get3A_436, %mul3A_439 : i32
      %get3A_441 = arith.index_cast %mul3A_440 : i32 to index
      %get3A_442 = arith.constant 0 : index
      %get3A_443 = vector.load %arg6[%get3A_441, %get3A_442] : memref<32000x128xf32, #tpu.memory_space<vmem>>, vector<32x128xf32>
      %mul3A_444 = arith.constant 32 : i32
      %mul3A_445 = arith.muli %get3A_438, %mul3A_444 : i32
      %get3A_446 = arith.index_cast %mul3A_445 : i32 to index
      %get3A_447 = arith.constant 0 : index
      %get3A_448 = vector.load %arg6[%get3A_446, %get3A_447] : memref<32000x128xf32, #tpu.memory_space<vmem>>, vector<32x128xf32>
      %get3A_449 = arith.index_cast %add3A_434 : i32 to index
      %get3A_450 = arith.constant 0 : index
      %get3A_451 = vector.load %arg8[%get3A_449, %get3A_450] : memref<8192x128xf32, #tpu.memory_space<vmem>>, vector<1x128xf32>
      %add3A_452 = arith.constant 4096 : i32
      %add3A_453 = arith.addi %add3A_452, %add3A_434 : i32
      %get3A_454 = arith.index_cast %add3A_453 : i32 to index
      %get3A_455 = arith.constant 0 : index
      %get3A_456 = vector.load %arg8[%get3A_454, %get3A_455] : memref<8192x128xf32, #tpu.memory_space<vmem>>, vector<1x128xf32>
      %slice3A_457 = vector.extract_strided_slice %get3A_451 {offsets = [0, 64], sizes = [1, 64], strides = [1, 1]} : vector<1x128xf32> to vector<1x64xf32>
      %slice3A_458 = vector.extract_strided_slice %get3A_456 {offsets = [0, 64], sizes = [1, 64], strides = [1, 1]} : vector<1x128xf32> to vector<1x64xf32>
      %slice3A_459 = vector.extract_strided_slice %get3A_451 {offsets = [0, 0], sizes = [1, 32], strides = [1, 1]} : vector<1x128xf32> to vector<1x32xf32>
      %dot_general3A_460 = arith.constant dense<0.000000e+00> : vector<1x128xf32>
      %dot_general3A_461 = tpu.matmul %slice3A_459, %get3A_443, %dot_general3A_460 {dimension_numbers = #tpu.dot_dimension_numbers<[1], [0], [0], [1], [0, 0, 1, 1], [], []>, transpose_lhs_hint = false} : vector<1x32xf32>, vector<32x128xf32>, vector<1x128xf32> -> vector<1x128xf32>
      %slice3A_462 = vector.extract_strided_slice %get3A_451 {offsets = [0, 32], sizes = [1, 32], strides = [1, 1]} : vector<1x128xf32> to vector<1x32xf32>
      %dot_general3A_463 = arith.constant dense<0.000000e+00> : vector<1x128xf32>
      %dot_general3A_464 = tpu.matmul %slice3A_462, %get3A_443, %dot_general3A_463 {dimension_numbers = #tpu.dot_dimension_numbers<[1], [0], [0], [1], [0, 0, 1, 1], [], []>, transpose_lhs_hint = false} : vector<1x32xf32>, vector<32x128xf32>, vector<1x128xf32> -> vector<1x128xf32>
      %slice3A_465 = vector.extract_strided_slice %get3A_456 {offsets = [0, 0], sizes = [1, 32], strides = [1, 1]} : vector<1x128xf32> to vector<1x32xf32>
      %dot_general3A_466 = arith.constant dense<0.000000e+00> : vector<1x128xf32>
      %dot_general3A_467 = tpu.matmul %slice3A_465, %get3A_448, %dot_general3A_466 {dimension_numbers = #tpu.dot_dimension_numbers<[1], [0], [0], [1], [0, 0, 1, 1], [], []>, transpose_lhs_hint = false} : vector<1x32xf32>, vector<32x128xf32>, vector<1x128xf32> -> vector<1x128xf32>
      %slice3A_468 = vector.extract_strided_slice %get3A_456 {offsets = [0, 32], sizes = [1, 32], strides = [1, 1]} : vector<1x128xf32> to vector<1x32xf32>
      %dot_general3A_469 = arith.constant dense<0.000000e+00> : vector<1x128xf32>
      %dot_general3A_470 = tpu.matmul %slice3A_468, %get3A_448, %dot_general3A_469 {dimension_numbers = #tpu.dot_dimension_numbers<[1], [0], [0], [1], [0, 0, 1, 1], [], []>, transpose_lhs_hint = false} : vector<1x32xf32>, vector<32x128xf32>, vector<1x128xf32> -> vector<1x128xf32>
      %slice3A_471 = vector.extract_strided_slice %dot_general3A_461 {offsets = [0, 0], sizes = [1, 64], strides = [1, 1]} : vector<1x128xf32> to vector<1x64xf32>
      %slice3A_472 = vector.extract_strided_slice %dot_general3A_464 {offsets = [0, 64], sizes = [1, 64], strides = [1, 1]} : vector<1x128xf32> to vector<1x64xf32>
      %add3A_473 = arith.addf %slice3A_471, %slice3A_472 : vector<1x64xf32>
      %mul3A_474 = arith.mulf %add3A_473, %slice3A_457 : vector<1x64xf32>
      %slice3A_475 = vector.extract_strided_slice %dot_general3A_467 {offsets = [0, 0], sizes = [1, 64], strides = [1, 1]} : vector<1x128xf32> to vector<1x64xf32>
      %slice3A_476 = vector.extract_strided_slice %dot_general3A_470 {offsets = [0, 64], sizes = [1, 64], strides = [1, 1]} : vector<1x128xf32> to vector<1x64xf32>
      %add3A_477 = arith.addf %slice3A_475, %slice3A_476 : vector<1x64xf32>
      %mul3A_478 = arith.mulf %add3A_477, %slice3A_458 : vector<1x64xf32>
      %sub3A_479 = arith.subf %mul3A_478, %mul3A_474 : vector<1x64xf32>
      %swap3A_480 = arith.index_cast %add3A_434 : i32 to index
      %swap3A_481 = arith.constant 0 : index
      %swap3A_482 = vector.load %arg9[%swap3A_480, %swap3A_481] : memref<4096x64xf32, #tpu.memory_space<vmem>>, vector<1x64xf32>
      tpu.vector_store %arg9[%swap3A_480, %swap3A_481], %sub3A_479 {strides = array<i32>} : memref<4096x64xf32, #tpu.memory_space<vmem>>, vector<1x64xf32>,
    }
    %scan3A_64 = arith.constant 512 : i32
    %get3A_65 = arith.constant 0 : index
    %get3A_66 = arith.constant 0 : index
    %get3A_67 = vector.load %arg9[%get3A_65, %get3A_66] : memref<4096x64xf32, #tpu.memory_space<vmem>>, vector<4096x64xf32>
    %reduce_sum3A = arith.constant dense<0.000000e+00> : vector<4096xf32>
    %reduce_sum3A_68 = vector.multi_reduction <add>, %get3A_67, %reduce_sum3A [1] : vector<4096x64xf32> to vector<4096xf32>
    %add3A_69 = arith.constant 1.000000e+00 : f32
    %add3A_70 = vector.broadcast %add3A_69 : f32 to vector<4096xf32>
    %add3A_71 = arith.addf %reduce_sum3A_68, %add3A_70 : vector<4096xf32>
    %max3A = arith.constant 0.000000e+00 : f32
    %max3A_72 = vector.broadcast %max3A : f32 to vector<4096xf32>
    %max3A_73 = arith.maximumf %add3A_71, %max3A_72 : vector<4096xf32>
    %reduce_sum3A_74 = vector.shape_cast %max3A_73 : vector<4096xf32> to vector<1x4096xf32>
    %reduce_sum3A_75 = arith.constant dense<0.000000e+00> : vector<1xf32>
    %reduce_sum3A_76 = vector.multi_reduction <add>, %reduce_sum3A_74, %reduce_sum3A_75 [1] : vector<1x4096xf32> to vector<1xf32>
    %reduce_sum3A_77 = vector.shape_cast %reduce_sum3A_76 : vector<1xf32> to vector<1x1xf32>
    %reduce_sum3A_78 = vector.extract %reduce_sum3A_77[0, 0] : f32 from vector<1x1xf32>
    %swap3A_79 = arith.constant 0 : index
    %swap3A_80 = arith.constant 0 : index
    %swap3A_81 = memref.load %arg7[%swap3A_79, %swap3A_80] : memref<1x1xf32, #tpu.memory_space<smem>>
    memref.store %reduce_sum3A_78, %arg7[%swap3A_79, %swap3A_80] : memref<1x1xf32, #tpu.memory_space<smem>>
    return
  }
}

</mosaic_0001>

<sc_bundles>
// kernel: gather_offload_async_start.1
scs
__scs_entry_jumppad:
0x0: {  	(pc) =	sbr.rel $0x88, $3  }
0x1: {  	(tag) =	ssettag $0x0;
	lr =	simm.s32 $0x1  }
0x2: {  	[smem:$0x3F99] =	sst lr;
	_ =	strace $0xD0000000  }
0x3: {  	_ = 	snop  }
0x4: {  	_ = 	snop  }
0x5: {  	_ = 	snop  }
0x6: {  	_ = 	snop  }
0x7: {  	_ = 	snop  }
__scs_overlays_trampoline_lowered:
0x8: {  	[smem:$0x3FA8] =	sst s0  }
0x9: {  	[smem:$0x3FA9] =	sst s1  }
0xa: {  	[smem:$0x3FAA] =	sst s2  }
0xb: {  	[smem:$0x3FAB] =	sst s3  }
0xc: {  	[smem:$0x3FAC] =	sst s4  }
0xd: {  	[smem:$0x3FAD] =	sst s5  }
0xe: {  	[smem:$0x3FAE] =	sst s6  }
0xf: {  	[smem:$0x3FAF] =	sst s7  }
0x10: {  	[smem:$0x3FB0] =	sst s8  }
0x11: {  	[smem:$0x3FB1] =	sst s9;
	s0 =	simm.s32 @!p0 $0x0  }
0x12: {  	s1 =	sld [smem:$0x3F97];
	s0 =	simm.s32 @p0 $0x1  }
0x13: {  	[smem:$0x3FB2] =	sst s0;
	s0 =	simm.s32 @!p1 $0x0  }
0x14: {  	s2 =	sld [smem:$0x3F96];
	s0 =	simm.s32 @p1 $0x1  }
0x15: {  	[smem:$0x3FB3] =	sst s0;
	s0 =	simm.s32 @!p2 $0x0  }
0x16: {  	s3 =	sld [smem:$0x3FDB];
	s0 =	simm.s32 @p2 $0x1  }
0x17: {  	s4 =	simm.s32 $0x1BF5;
	[smem:$0x3FB5] =	sst s0  }
0x18: {  	s0 =	sld [smem:$0x3F98];
	_ =	swait.ge [sflag:s4], $0x0  }
0x19: {  	s7 =	sld [smem:$0x3F99]  }
0x1a: {  	s8 =	sadd.s32 $0xFFFFE003, lr  }
0x1b: {  	s9 =	sadd.s32 $0xFFFFFEF7, lr;
	s5 =	simm.s32 $0xFFFFFFFF;
	p2 =	slt.u32 s8, $0xFFFFF086  }
0x1c: {  	p1 =	slt.u32 s9, $0xF7A;
	s5 =	simm.s32 @!p2 $0x0  }
0x1d: {  	s5 =	simm.s32 @p1 $0x1;
	p0 =	seq.s32 s7, s2  }
0x1e: {  	s7 =	smul.u32 @!p0 $0xF7A, s2;
	p2 =	seq.s32 @!p0 s5, $0x0  }
0x1f: {  	s9 =	smul.u32 $0xF7A, s1;
	s8 =	simm.s32 @!p0 $0x1BF5;
	p2 =	por !p2, p0  }
0x20: {  	[sflag:s8] =	ssyncset.s32 @!p0 $0xFFFFF086;
	s6 =	sadd.s32 @!p0 s3, s7;
	s7 =	simm.s32 @!p0 $0x108  }
0x21: {  	s3 =	sadd.s32 s3, s9;
	s6 =	sadd.s32 @!p0 $0x88, s6;
	s7 =	simm.s32 @p2 $0x1082  }
0x22: {  	[simem:s7], [sflag:s8] =	dma.local @!p0 [hbm:s6], $0xF7A  }
0x23: {  	s9 =	sor.u32 $0xD0000000, s2;
	s6 =	simm.s32 $0x108;
	_ =	swait.ge @!p0 [sflag:s8], $0x0  }
0x24: {  	s3 =	sadd.s32 $0x88, s3;
	s6 =	simm.s32 @!p1 $0x1082;
	[sflag:s4] =	ssyncset.s32 $0xFFFFF086  }
0x25: {  	[simem:s6], [sflag:s4] =	dma.local [hbm:s3], $0xF7A  }
0x26: {  	[smem:$0x3F99] =	sst s1;
	(tag) =	ssettag s2;
	_ =	strace s9  }
0x27: {  	s1 =	sld [smem:$0x3FA9]  }
0x28: {  	s2 =	sld [smem:$0x3FAA]  }
0x29: {  	s4 =	sld [smem:$0x3FAC]  }
0x2a: {  	p0 =	seq.s32 s5, $0x0;
	s5 =	sld [smem:$0x3FAD]  }
0x2b: {  	s6 =	sld [smem:$0x3FAE]  }
0x2c: {  	s7 =	sld [smem:$0x3FAF]  }
0x2d: {  	s3 =	simm.s32 $0x108;
	s8 =	sld [smem:$0x3FB0]  }
0x2e: {  	s3 =	simm.s32 @!p0 $0x1082;
	s9 =	sld [smem:$0x3FB1]  }
0x2f: {  	lr =	sadd.s32 s0, s3;
	s0 =	sld [smem:$0x3FA8]  }
0x30: {  	s3 =	sld [smem:$0x3FAB]  }
0x31: {  	[smem:$0x3FB4] =	sst s10  }
0x32: {  	s10 =	sld [smem:$0x3FB2];
	_ =	sdelay $0x3  }
0x33: {  	p0 =	seq.s32 s10, $0x1;
	s10 =	sld [smem:$0x3FB4];
	_ =	sdelay $0x3  }
0x34: {  	[smem:$0x3FB4] =	sst s10  }
0x35: {  	s10 =	sld [smem:$0x3FB3];
	_ =	sdelay $0x3  }
0x36: {  	p1 =	seq.s32 s10, $0x1;
	s10 =	sld [smem:$0x3FB4];
	_ =	sdelay $0x3  }
0x37: {  	[smem:$0x3FB4] =	sst s10  }
0x38: {  	s10 =	sld [smem:$0x3FB5]  }
0x39: {  	_ = 	snop;
	(pc) =	sbr.ind lr, $3  }
0x3a: {  	_ = 	snop  }
0x3b: {  	_ = 	snop  }
0x3c: {  	p2 =	seq.s32 s10, $0x1;
	s10 =	sld [smem:$0x3FB4]  }
0x3d: {  	_ =	shalt  }
0x3e: {  	_ =	shalt  }
0x3f: {  	_ =	shalt  }
0x40: {  	_ =	shalt  }
0x41: {  	_ =	shalt  }
0x42: {  	_ =	shalt  }
0x43: {  	_ =	shalt  }
0x44: {  	_ =	shalt  }
0x45: {  	_ =	shalt  }
0x46: {  	_ =	shalt  }
0x47: {  	_ =	shalt  }
0x48: {  	_ =	shalt  }
0x49: {  	_ =	shalt  }
0x4a: {  	_ =	shalt  }
0x4b: {  	_ =	shalt  }
0x4c: {  	_ =	shalt  }
0x4d: {  	_ =	shalt  }
0x4e: {  	_ =	shalt  }
0x4f: {  	_ =	shalt  }
0x50: {  	_ =	shalt  }
0x51: {  	_ =	shalt  }
0x52: {  	_ =	shalt  }
0x53: {  	_ =	shalt  }
0x54: {  	_ =	shalt  }
0x55: {  	_ =	shalt  }
0x56: {  	_ =	shalt  }
0x57: {  	_ =	shalt  }
0x58: {  	_ =	shalt  }
0x59: {  	_ =	shalt  }
0x5a: {  	_ =	shalt  }
0x5b: {  	_ =	shalt  }
0x5c: {  	_ =	shalt  }
0x5d: {  	_ =	shalt  }
0x5e: {  	_ =	shalt  }
0x5f: {  	_ =	shalt  }
0x60: {  	_ =	shalt  }
0x61: {  	_ =	shalt  }
0x62: {  	_ =	shalt  }
0x63: {  	_ =	shalt  }
0x64: {  	_ =	shalt  }
0x65: {  	_ =	shalt  }
0x66: {  	_ =	shalt  }
0x67: {  	_ =	shalt  }
0x68: {  	_ =	shalt  }
0x69: {  	_ =	shalt  }
0x6a: {  	_ =	shalt  }
0x6b: {  	_ =	shalt  }
0x6c: {  	_ =	shalt  }
0x6d: {  	_ =	shalt  }
0x6e: {  	_ =	shalt  }
0x6f: {  	_ =	shalt  }
0x70: {  	_ =	shalt  }
0x71: {  	_ =	shalt  }
0x72: {  	_ =	shalt  }
0x73: {  	_ =	shalt  }
0x74: {  	_ =	shalt  }
0x75: {  	_ =	shalt  }
0x76: {  	_ =	shalt  }
0x77: {  	_ =	shalt  }
0x78: {  	_ =	shalt  }
0x79: {  	_ =	shalt  }
0x7a: {  	_ =	shalt  }
0x7b: {  	_ =	shalt  }
0x7c: {  	_ =	shalt  }
0x7d: {  	_ =	shalt  }
0x7e: {  	_ =	shalt  }
0x7f: {  	_ =	shalt  }
0x80: {  	_ =	shalt  }
0x81: {  	_ =	shalt  }
0x82: {  	_ =	shalt  }
0x83: {  	_ =	shalt  }
0x84: {  	_ =	shalt  }
0x85: {  	_ =	shalt  }
0x86: {  	_ =	shalt  }
0x87: {  	_ =	shalt  }
.Lfunc_end0:
.L_simem_size_0:
called_computation.1_lowered:
.L_overlay_start_0:
0x88: {  	s2 =	sld [smem:$0x3FD9]  }
0x89: {  	s3 =	sld [smem:$0x3FFE];
	_ =	sdelay $0x1  }
0x8a: {  	s1 =	srdreg.scid  }
0x8b: {  	s0 =	sand.u32 $0x1, s1  }
0x8c: {  	s16 =	sshll.u32 s0, $0xA;
	s2 =	sadd.s32 s3, s2  }
0x8d: {  	s2 =	sadd.s32 s2, s16  }
0x8e: {  	[smem:$0x3FC0] =	sst s2  }
0x8f: {  	_ = 	snop  }
0x90: {  	(tm) =	ssettm $0x1  }
0x91: {  	s17 =	sld [smem:$0x3FFB];
	_ =	sdelay $0x3  }
0x92: {  	_ =	strace s17  }
0x93: {  	s2 =	sld [smem:$0x3FFC];
	_ =	sdelay $0x3  }
0x94: {  	_ =	strace s2  }
0x95: {  	s2 =	sld [smem:$0x3FFD];
	_ =	sdelay $0x3  }
0x96: {  	_ =	strace s2  }
0x97: {  	_ =	strace $0x8FFFFFFF  }
0x98: {  	s18 =	sld [smem:$0x3FDB];
	_ =	sdelay $0x1  }
0x99: {  	s19 =	simm.s32 $_scs_section_size  }
0x9a: {  	s4 =	simm.s32 $_size__tile_overlayer_lowered;
	s5 =	simm.s32 $_tile_overlayer_lowered  }
0x9b: {  	s22 =	simm.s32 $0x1BFF;
	s21 =	sshll.u32 s5, $0x1;
	s2 =	sadd.s32 s19, s18  }
0x9c: {  	s6 =	simm.s32 $0x0;
	s20 =	sshll.u32 s4, $0x1;
	s4 =	sadd.s32 s21, s2  }
0x9d: {  	[timem:s6], [sflag:s22] =	dma.local [hbm:s4], s20  }
0x9e: {  	_ =	swait.ge [sflag:s22], s20  }
0x9f: {  	s3 =	ssub.s32 $0x0, s20;
	[sflag:s22] =	ssyncset.done $0x0  }
0xa0: {  	[sflag:s22] =	ssyncadd.s32 s3;
	_ =	sdelay $0x1  }
0xa1: {  	s23 =	simm.s32 $0x1B8B  }
0xa2: {  	_ =	swait.ge [sflag:s23], $0x1  }
0xa3: {  	[sflag:s23] =	ssyncset.done $0x0  }
0xa4: {  	s25 =	simm.s32 $0x1B8E;
	s24 =	sld [smem:$0x3FFE];
	[sflag:s23] =	ssyncadd.s32 $0xFFFFFFFF  }
0xa5: {  	s26 =	simm.s32 $execute0_lowered;
	[smem:$0x3FD2] =	sst s25  }
0xa6: {  	s4 =	sshll.u32 s26, $0x1;
	_ =	strace $0x80000046;
	[dreg:$0x1] =	wrdreg $0xFFFFFFFF  }
0xa7: {  	s28 =	simm.s32 $_size_execute0_lowered;
	s2 =	sadd.s32 s2, s4;
	[dreg:$0x0] =	wrdreg $0x0  }
0xa8: {  	s4 =	sshll.u32 s28, $0x1;
	[dreg:$0x2] =	wrdreg s2  }
0xa9: {  	[dreg:$0x3] =	wrdreg s4  }
0xaa: {  	[dreg:$0x4] =	wrdreg $0xC0  }
0xab: {  	_ =	task [dreg:s6], $0x5FFFF  }
0xac: {  	[dreg:$0x1] =	wrdreg $0xFFFFFFFF  }
0xad: {  	[dreg:$0x0] =	wrdreg $0x60  }
0xae: {  	[dreg:$0x2] =	wrdreg s24  }
0xaf: {  	[dreg:$0x3] =	wrdreg $0xB  }
0xb0: {  	_ =	task.clear_ibuf [dreg:s6], $0x4FFFF;
	_ =	strace $0x90000046  }
0xb1: {  	s29 =	simm.s32 $0xB;
	_ =	strace $0x80000048  }
0xb2: {  	_ =	swait.ge [sflag:s29], $0x1  }
0xb3: {  	[sflag:s29] =	ssyncadd.s32 $0xFFFFFFFF  }
0xb4: {  	_ =	strace $0x90000048  }
0xb5: {  	_ =	sfence  }
0xb6: {  	s30 =	sld [smem:$0x0];
	_ =	sdelay $0x2  }
0xb7: {  	s31 =	sshll.u32 s1, $0xD;
	s1 =	sshrl.u32 s1, $0x2  }
0xb8: {  	s3 =	sand.u32 $0x4000, s31;
	s1 =	sadd.s32 s1, s30  }
0xb9: {  	s0 =	sor.u32 s3, s0;
	s1 =	sshll.u32 s1, $0x11  }
0xba: {  	s0 =	sor.u32 s1, s0  }
0xbb: {  	s0 =	sadd.s32 $0x8F2B, s0  }
0xbc: {  	[sflag:s0] =	ssyncadd.remote.s32 $0x1  }
0xbd: {  	_ =	sfence.sel $0xFFFF  }
0xbe: {  	[dreg:$0x0] =	wrdreg $0xFFFFFFFF;
	(pc) =	sbr.abs _section_cstart, $3  }
0xbf: {  	[dreg:$0x1] =	wrdreg $0xFFFFFFFF  }
0xc0: {  	_ =	task.clear_ibuf [dreg:s6], $0x2FFFF;
	_ =	strace $0x9FFFFFFF  }
0xc1: {  	(tm) =	ssettm $0x7FFFFFFF  }
tec
execute0_lowered:
.L_overlay_start_1:
0x0: {  	(tag) =	ssettag $0x1  }
0x1: {  	s7 =	rddreg [dreg:$0x0]  }
0x2: {  	s0 =	rddreg [dreg:$0x1];
	_ =	strace $0x80000047  }
0x3: {  	s1 =	srdreg.scid;
	s4 =	simm.s32 $0x1;
	s9 =	simm.s32 $0x3  }
0x4: {  	s12 =	simm.s32 $0x0;
	s10 =	simm.s32 $0x0;
	s5 =	sshll.u32 s1, $0x4  }
.Ltmp0:
0x5: {  	s1 =	stileid.u32;
	s5 =	sand.u32 $0x10, s5;
	(pc) =	sbr.rel .LBB2_1-.Ltmp0, $4  }
0x6: {  	s2 =	sadd.s32 $0x1200, s7;
	s3 =	sadd.s32 $0xF43600, s7;
	s6 =	sor.u32 s1, s5  }
0x7: {  	[sflag:s4] =	ssyncpa.u1 $0x0;
	s5 =	simm.s32 $0x2;
	s6 =	sshll.u32 s6, $0x7  }
0x8: {  	s7 =	sadd.s32 $0xF43A00, s7;
	[sflag:s5] =	ssyncpa.u1 $0x0;
	s8 =	sadd.s32 $0x80, s6  }
0x9: {  	vm0 =	vmmov $0xff;
	vm1 =	vcmask $0x3F20;
	[sflag:s9] =	ssyncpa.u1 $0x0;
	s9 =	simm.s32 $0x80;
	s11 =	smov.u32 s6  }
.LBB2_9:
0xa: {  	p0 =	seq.s32 s10, $0x2  }
.Ltmp1:
0xb: {  	_ = 	snop;
	(pc) =	sbr.rel @p0 .LBB2_11-.Ltmp1, $1  }
0xc: {  	_ =	sdelay $0x3  }
.LBB2_10:
0xd: {  	s12 =	sadd.s32 $0x80, s11  }
0xe: {  	s13 =	smov.u32 s6;
	p0 =	slt.s32 s12, s8  }
0xf: {  	s13 =	smov.u32 @p0 s12  }
0x10: {  	s10 =	sadd.s32 $0x1, s10;
	s12 =	smov.u32 s11;
	s11 =	smov.u32 s13  }
.LBB2_1:
0x11: {  	p0 =	sne.s32 s10, $0x0  }
.Ltmp2:
0x12: {  	_ = 	snop;
	(pc) =	sbr.rel @!p0 .LBB2_2-.Ltmp2, $1  }
0x13: {  	_ =	sdelay $0x3  }
0x14: {  	s13 =	sand.u32 $0x1, s10  }
0x15: {  	p0 =	seq.s32 s13, $0x0  }
.Ltmp3:
0x16: {  	_ = 	snop;
	(pc) =	sbr.rel @p0 .LBB2_9-.Ltmp3, $1  }
0x17: {  	_ =	sdelay $0x3  }
0x18: {  	_ =	swait.ge [sflag:s5], $0x80  }
0x19: {  	[sflag:s5] =	ssyncset.done $0x0  }
0x1a: {  	s13 =	simm.s32 $0x0;
	[sflag:s5] =	ssyncadd.s32 $0xFFFFFF80  }
0x1b: {  	v0 =	vld.msk [tilespmem:s13+$0x80 ss:$0x1], $0xffff;
	_ =	sdelay $0x4  }
0x1c: {  	vm2 =	vgt.s32 v0, $0x0  }
0x1d: {  	v0 =	vnsel vm2, $0x0, v0  }
0x1e: {  	v0 =	vmin.u32 v0, $0xF423F  }
0x1f: {  	v0 =	vshll.u32 v0, $0x4;
	_ =	sdelay $0x3  }
0x20: {  	s13 =	simm.s32 $0x4100  }
0x21: {  	[tilespmem:s13], [sflag:$0x1] =	stream.indirect_vreg.gather [hbm:s2], $0x80, v0, vm0, $0x38;
	[tilespmem:$0x8100] =	vst v63  }
0x22: {  	s14 =	simm.s32 $0x4500;
	s31 =	simm.s32 $0x10  }
0x23: {  	[tilespmem:s14], [sflag:$0x1] =	stream.indirect_vreg.gather [hbm:s2], $0x80, v0, vm1, $0x38;
	[tilespmem:$0x8100] =	vst v63  }
0x24: {  	s14 =	simm.s32 $0x80;
	v0 =	vld.msk [tilespmem:s31+$0x80 ss:$0x1], $0xffff  }
.LBB2_5:
0x25: {  	p0 =	sne.s32 s14, $0x1C0;
	_ =	sdelay $0x4  }
0x26: {  	vm2 =	vgt.s32 v0, $0x0  }
0x27: {  	v0 =	vnsel vm2, $0x0, v0  }
0x28: {  	v0 =	vmin.u32 v0, $0xF423F  }
0x29: {  	v0 =	vshll.u32 v0, $0x4;
	_ =	sdelay $0x3  }
.Ltmp4:
0x2a: {  	s13 =	sadd.s32 $0x800, s13;
	(pc) =	sbr.rel @p0 .LBB2_5-.Ltmp4, $4  }
0x2b: {  	[tilespmem:s13], [sflag:$0x1] =	stream.indirect_vreg.gather [hbm:s2], $0x80, v0, vm0, $0x38;
	[tilespmem:$0x8100] =	vst v63  }
0x2c: {  	s15 =	sshra.s32 s14, $0x2;
	s16 =	sadd.s32 $0x400, s13  }
0x2d: {  	[tilespmem:s16], [sflag:$0x1] =	stream.indirect_vreg.gather [hbm:s2], $0x80, v0, vm1, $0x38;
	[tilespmem:$0x8100] =	vst v63  }
0x2e: {  	s14 =	sadd.s32 $0x40, s14;
	v0 =	vld.msk [tilespmem:s15+$0x80 ss:$0x1], $0xffff  }
0x2f: {  	_ =	sdelay $0x3  }
0x30: {  	vm2 =	vgt.s32 v0, $0x0  }
0x31: {  	v0 =	vnsel vm2, $0x0, v0  }
0x32: {  	v0 =	vmin.u32 v0, $0xF423F  }
0x33: {  	v0 =	vshll.u32 v0, $0x4;
	_ =	sdelay $0x3  }
0x34: {  	s13 =	sadd.s32 $0x800, s13  }
0x35: {  	[tilespmem:s13], [sflag:$0x1] =	stream.indirect_vreg.gather [hbm:s2], $0x80, v0, vm0, $0x38;
	[tilespmem:$0x8100] =	vst v63  }
0x36: {  	s13 =	sadd.s32 $0x400, s13  }
0x37: {  	[tilespmem:s13], [sflag:$0x1] =	stream.indirect_vreg.gather [hbm:s2], $0x80, v0, vm1, $0x38;
	[tilespmem:$0x8100] =	vst v63  }
0x38: {  	s12 =	sshll.u32 s12, $0x4;
	s14 =	simm.s32 $0x80;
	_ =	swait.ge [sflag:s4], $0x4000  }
0x39: {  	s15 =	simm.s32 $0x4500;
	s12 =	sadd.s32 s12, s7;
	[sflag:s4] =	ssyncset.done $0x0  }
0x3a: {  	s16 =	sadd.s32 $0x0, s12;
	s13 =	simm.s32 $0x4100;
	[sflag:s4] =	ssyncadd.s32 $0xFFFFC000  }
.LBB2_7:
0x3b: {  	[hbm:s16] =	stream.linear.scatter [tilespmem:s13], [sflag:$0x3], $0x400, $0x38;
	[tilespmem:$0x8100] =	vst v63  }
0x3c: {  	s16 =	smov.u32 s14;
	s13 =	smov.u32 s15;
	p0 =	sne.s32 s14, $0x780  }
.Ltmp5:
0x3d: {  	s14 =	sadd.s32 $0x80, s14;
	(pc) =	sbr.rel @p0 .LBB2_7-.Ltmp5, $2  }
0x3e: {  	_ =	sdelay $0x2  }
0x3f: {  	s15 =	sadd.s32 $0x400, s15;
	s16 =	sadd.s32 s16, s12  }
.Ltmp6:
0x40: {  	(pc) =	sbr.rel .LBB2_9-.Ltmp6, $2  }
0x41: {  	_ =	sdelay $0x2  }
0x42: {  	[hbm:s16] =	stream.linear.scatter [tilespmem:s13], [sflag:$0x3], $0x400, $0x38;
	[tilespmem:$0x8100] =	vst v63  }
.LBB2_2:
.Ltmp7:
0x43: {  	(pc) =	sbr.rel .LBB2_10-.Ltmp7, $4  }
0x44: {  	_ = 	snop  }
0x45: {  	s12 =	sshrl.u32 s11, $0x3  }
0x46: {  	s13 =	sand.u32 $0x7, s11;
	s12 =	sadd.s32 s3, s12  }
0x47: {  	[tilespmem:s9], [sflag:$0x2] =	stream.linear.gather [hbm4b:s12+s13], $0x80, $0x38;
	[tilespmem:$0x8100] =	vst v63  }
.LBB2_11:
0x48: {  	s2 =	simm.s32 $0x3  }
0x49: {  	_ =	swait.ge [sflag:s2], $0x4000  }
0x4a: {  	[sflag:s2] =	ssyncset.done $0x0  }
0x4b: {  	[sflag:s2] =	ssyncadd.s32 $0xFFFFC000  }
0x4c: {  	_ =	sfence.sel $0x180000  }
0x4d: {  	s3 =	simm.s32 $0x2;
	[bflag:$0x0] =	sbarrier.arrive $0xFFFF  }
0x4e: {  	[sflag:s3] =	ssyncpa.u1 $0x1  }
0x4f: {  	s31 =	simm.s32 $0x1;
	[sflag:s2] =	ssyncpa.u1 $0x1  }
0x50: {  	[sflag:s31] =	ssyncpa.u1 $0x1  }
0x51: {  	p0 =	sne.s32 s1, $0x0;
	_ =	strace $0x90000047  }
0x52: {  	s0 =	sadd.s32 @!p0 $0x100000, s0;
	[bflag:$0x2] =	sbarrier.arrive $0xFFFF  }
0x53: {  	[sflag:s0] =	ssyncadd.tile.s32 @!p0 $0x1;
	_ =	shalt  }
.Lfunc_end2:
_tile_overlayer_lowered:
.L_overlay_start_2:
0x54: {  	(tag) =	ssettag $0x2  }
0x55: {  	s0 =	rddreg [dreg:$0x0];
	s2 =	stileid.u32  }
0x56: {  	s1 =	rddreg [dreg:$0x1];
	p0 =	sne.s32 s2, $0x0  }
0x57: {  	s3 =	rddreg [dreg:$0x2];
	[bflag:$0x3] =	sbarrier.arrive $0xFFFF;
	s2 =	simm.s32 @!p0 $0x1C01  }
0x58: {  	[timem:s3], [sflag:s2] =	dma.local @!p0 [hbm:s0], s1  }
0x59: {  	s0 =	simm.s32 @!p0 $0x1  }
0x5a: {  	_ =	swait.ge @!p0 [sflag:s0], s1  }
0x5b: {  	s1 =	ssub.s32 @!p0 $0x0, s1;
	[sflag:s0] =	ssyncset.done @!p0 $0x0  }
0x5c: {  	[sflag:s0] =	ssyncadd.s32 @!p0 s1  }
0x5d: {  	[bflag:$0x3] =	sbarrier.arrive $0xFFFF  }
0x5e: {  	_ =	shalt  }

// kernel: gather_offload_async_start.2
scs
__scs_entry_jumppad:
0x0: {  	(pc) =	sbr.rel $0x88, $3  }
0x1: {  	(tag) =	ssettag $0x0;
	lr =	simm.s32 $0x1  }
0x2: {  	[smem:$0x3F99] =	sst lr;
	_ =	strace $0xD0000000  }
0x3: {  	_ = 	snop  }
0x4: {  	_ = 	snop  }
0x5: {  	_ = 	snop  }
0x6: {  	_ = 	snop  }
0x7: {  	_ = 	snop  }
__scs_overlays_trampoline_lowered:
0x8: {  	[smem:$0x3FA8] =	sst s0  }
0x9: {  	[smem:$0x3FA9] =	sst s1  }
0xa: {  	[smem:$0x3FAA] =	sst s2  }
0xb: {  	[smem:$0x3FAB] =	sst s3  }
0xc: {  	[smem:$0x3FAC] =	sst s4  }
0xd: {  	[smem:$0x3FAD] =	sst s5  }
0xe: {  	[smem:$0x3FAE] =	sst s6  }
0xf: {  	[smem:$0x3FAF] =	sst s7  }
0x10: {  	[smem:$0x3FB0] =	sst s8  }
0x11: {  	[smem:$0x3FB1] =	sst s9;
	s0 =	simm.s32 @!p0 $0x0  }
0x12: {  	s1 =	sld [smem:$0x3F97];
	s0 =	simm.s32 @p0 $0x1  }
0x13: {  	[smem:$0x3FB2] =	sst s0;
	s0 =	simm.s32 @!p1 $0x0  }
0x14: {  	s2 =	sld [smem:$0x3F96];
	s0 =	simm.s32 @p1 $0x1  }
0x15: {  	[smem:$0x3FB3] =	sst s0;
	s0 =	simm.s32 @!p2 $0x0  }
0x16: {  	s3 =	sld [smem:$0x3FDB];
	s0 =	simm.s32 @p2 $0x1  }
0x17: {  	s4 =	simm.s32 $0x1BF5;
	[smem:$0x3FB5] =	sst s0  }
0x18: {  	s0 =	sld [smem:$0x3F98];
	_ =	swait.ge [sflag:s4], $0x0  }
0x19: {  	s7 =	sld [smem:$0x3F99]  }
0x1a: {  	s8 =	sadd.s32 $0xFFFFE003, lr  }
0x1b: {  	s9 =	sadd.s32 $0xFFFFFEF7, lr;
	s5 =	simm.s32 $0xFFFFFFFF;
	p2 =	slt.u32 s8, $0xFFFFF086  }
0x1c: {  	p1 =	slt.u32 s9, $0xF7A;
	s5 =	simm.s32 @!p2 $0x0  }
0x1d: {  	s5 =	simm.s32 @p1 $0x1;
	p0 =	seq.s32 s7, s2  }
0x1e: {  	s7 =	smul.u32 @!p0 $0xF7A, s2;
	p2 =	seq.s32 @!p0 s5, $0x0  }
0x1f: {  	s9 =	smul.u32 $0xF7A, s1;
	s8 =	simm.s32 @!p0 $0x1BF5;
	p2 =	por !p2, p0  }
0x20: {  	[sflag:s8] =	ssyncset.s32 @!p0 $0xFFFFF086;
	s6 =	sadd.s32 @!p0 s3, s7;
	s7 =	simm.s32 @!p0 $0x108  }
0x21: {  	s3 =	sadd.s32 s3, s9;
	s6 =	sadd.s32 @!p0 $0x88, s6;
	s7 =	simm.s32 @p2 $0x1082  }
0x22: {  	[simem:s7], [sflag:s8] =	dma.local @!p0 [hbm:s6], $0xF7A  }
0x23: {  	s9 =	sor.u32 $0xD0000000, s2;
	s6 =	simm.s32 $0x108;
	_ =	swait.ge @!p0 [sflag:s8], $0x0  }
0x24: {  	s3 =	sadd.s32 $0x88, s3;
	s6 =	simm.s32 @!p1 $0x1082;
	[sflag:s4] =	ssyncset.s32 $0xFFFFF086  }
0x25: {  	[simem:s6], [sflag:s4] =	dma.local [hbm:s3], $0xF7A  }
0x26: {  	[smem:$0x3F99] =	sst s1;
	(tag) =	ssettag s2;
	_ =	strace s9  }
0x27: {  	s1 =	sld [smem:$0x3FA9]  }
0x28: {  	s2 =	sld [smem:$0x3FAA]  }
0x29: {  	s4 =	sld [smem:$0x3FAC]  }
0x2a: {  	p0 =	seq.s32 s5, $0x0;
	s5 =	sld [smem:$0x3FAD]  }
0x2b: {  	s6 =	sld [smem:$0x3FAE]  }
0x2c: {  	s7 =	sld [smem:$0x3FAF]  }
0x2d: {  	s3 =	simm.s32 $0x108;
	s8 =	sld [smem:$0x3FB0]  }
0x2e: {  	s3 =	simm.s32 @!p0 $0x1082;
	s9 =	sld [smem:$0x3FB1]  }
0x2f: {  	lr =	sadd.s32 s0, s3;
	s0 =	sld [smem:$0x3FA8]  }
0x30: {  	s3 =	sld [smem:$0x3FAB]  }
0x31: {  	[smem:$0x3FB4] =	sst s10  }
0x32: {  	s10 =	sld [smem:$0x3FB2];
	_ =	sdelay $0x3  }
0x33: {  	p0 =	seq.s32 s10, $0x1;
	s10 =	sld [smem:$0x3FB4];
	_ =	sdelay $0x3  }
0x34: {  	[smem:$0x3FB4] =	sst s10  }
0x35: {  	s10 =	sld [smem:$0x3FB3];
	_ =	sdelay $0x3  }
0x36: {  	p1 =	seq.s32 s10, $0x1;
	s10 =	sld [smem:$0x3FB4];
	_ =	sdelay $0x3  }
0x37: {  	[smem:$0x3FB4] =	sst s10  }
0x38: {  	s10 =	sld [smem:$0x3FB5]  }
0x39: {  	_ = 	snop;
	(pc) =	sbr.ind lr, $3  }
0x3a: {  	_ = 	snop  }
0x3b: {  	_ = 	snop  }
0x3c: {  	p2 =	seq.s32 s10, $0x1;
	s10 =	sld [smem:$0x3FB4]  }
0x3d: {  	_ =	shalt  }
0x3e: {  	_ =	shalt  }
0x3f: {  	_ =	shalt  }
0x40: {  	_ =	shalt  }
0x41: {  	_ =	shalt  }
0x42: {  	_ =	shalt  }
0x43: {  	_ =	shalt  }
0x44: {  	_ =	shalt  }
0x45: {  	_ =	shalt  }
0x46: {  	_ =	shalt  }
0x47: {  	_ =	shalt  }
0x48: {  	_ =	shalt  }
0x49: {  	_ =	shalt  }
0x4a: {  	_ =	shalt  }
0x4b: {  	_ =	shalt  }
0x4c: {  	_ =	shalt  }
0x4d: {  	_ =	shalt  }
0x4e: {  	_ =	shalt  }
0x4f: {  	_ =	shalt  }
0x50: {  	_ =	shalt  }
0x51: {  	_ =	shalt  }
0x52: {  	_ =	shalt  }
0x53: {  	_ =	shalt  }
0x54: {  	_ =	shalt  }
0x55: {  	_ =	shalt  }
0x56: {  	_ =	shalt  }
0x57: {  	_ =	shalt  }
0x58: {  	_ =	shalt  }
0x59: {  	_ =	shalt  }
0x5a: {  	_ =	shalt  }
0x5b: {  	_ =	shalt  }
0x5c: {  	_ =	shalt  }
0x5d: {  	_ =	shalt  }
0x5e: {  	_ =	shalt  }
0x5f: {  	_ =	shalt  }
0x60: {  	_ =	shalt  }
0x61: {  	_ =	shalt  }
0x62: {  	_ =	shalt  }
0x63: {  	_ =	shalt  }
0x64: {  	_ =	shalt  }
0x65: {  	_ =	shalt  }
0x66: {  	_ =	shalt  }
0x67: {  	_ =	shalt  }
0x68: {  	_ =	shalt  }
0x69: {  	_ =	shalt  }
0x6a: {  	_ =	shalt  }
0x6b: {  	_ =	shalt  }
0x6c: {  	_ =	shalt  }
0x6d: {  	_ =	shalt  }
0x6e: {  	_ =	shalt  }
0x6f: {  	_ =	shalt  }
0x70: {  	_ =	shalt  }
0x71: {  	_ =	shalt  }
0x72: {  	_ =	shalt  }
0x73: {  	_ =	shalt  }
0x74: {  	_ =	shalt  }
0x75: {  	_ =	shalt  }
0x76: {  	_ =	shalt  }
0x77: {  	_ =	shalt  }
0x78: {  	_ =	shalt  }
0x79: {  	_ =	shalt  }
0x7a: {  	_ =	shalt  }
0x7b: {  	_ =	shalt  }
0x7c: {  	_ =	shalt  }
0x7d: {  	_ =	shalt  }
0x7e: {  	_ =	shalt  }
0x7f: {  	_ =	shalt  }
0x80: {  	_ =	shalt  }
0x81: {  	_ =	shalt  }
0x82: {  	_ =	shalt  }
0x83: {  	_ =	shalt  }
0x84: {  	_ =	shalt  }
0x85: {  	_ =	shalt  }
0x86: {  	_ =	shalt  }
0x87: {  	_ =	shalt  }
.Lfunc_end0:
.L_simem_size_0:
called_computation.2_lowered:
.L_overlay_start_0:
0x88: {  	s2 =	sld [smem:$0x3FD9]  }
0x89: {  	s3 =	sld [smem:$0x3FFE];
	_ =	sdelay $0x1  }
0x8a: {  	s1 =	srdreg.scid  }
0x8b: {  	s0 =	sand.u32 $0x1, s1  }
0x8c: {  	s17 =	sshll.u32 s0, $0xA;
	s2 =	sadd.s32 s3, s2  }
0x8d: {  	s2 =	sadd.s32 s2, s17  }
0x8e: {  	[smem:$0x3FC0] =	sst s2  }
0x8f: {  	_ = 	snop  }
0x90: {  	(tm) =	ssettm $0x1  }
0x91: {  	s18 =	sld [smem:$0x3FFB];
	_ =	sdelay $0x3  }
0x92: {  	_ =	strace s18  }
0x93: {  	s2 =	sld [smem:$0x3FFC];
	_ =	sdelay $0x3  }
0x94: {  	_ =	strace s2  }
0x95: {  	s2 =	sld [smem:$0x3FFD];
	_ =	sdelay $0x3  }
0x96: {  	_ =	strace s2  }
0x97: {  	_ =	strace $0x8FFFFFFF  }
0x98: {  	s19 =	sld [smem:$0x3FDB];
	_ =	sdelay $0x1  }
0x99: {  	s20 =	simm.s32 $_scs_section_size  }
0x9a: {  	s4 =	simm.s32 $_size__tile_overlayer_lowered;
	s5 =	simm.s32 $_tile_overlayer_lowered  }
0x9b: {  	s6 =	simm.s32 $0x1BFF;
	s21 =	sshll.u32 s5, $0x1;
	s3 =	sadd.s32 s20, s19  }
0x9c: {  	s22 =	simm.s32 $0x0;
	s4 =	sshll.u32 s4, $0x1;
	s5 =	sadd.s32 s21, s3  }
0x9d: {  	[timem:s22], [sflag:s6] =	dma.local [hbm:s5], s4  }
0x9e: {  	_ =	swait.ge [sflag:s6], s4  }
0x9f: {  	s4 =	ssub.s32 $0x0, s4;
	[sflag:s6] =	ssyncset.done $0x0  }
0xa0: {  	[sflag:s6] =	ssyncadd.s32 s4;
	_ =	sdelay $0x1  }
0xa1: {  	s23 =	simm.s32 $0x1B8B  }
0xa2: {  	_ =	swait.ge [sflag:s23], $0x1  }
0xa3: {  	[sflag:s23] =	ssyncset.done $0x0  }
0xa4: {  	[sflag:s23] =	ssyncadd.s32 $0xFFFFFFFF  }
0xa5: {  	s4 =	sld [smem:$0x0]  }
0xa6: {  	s5 =	sand.u32 $0xFFFFFFFE, s1  }
0xa7: {  	p0 =	sne.s32 s1, s5  }
0xa8: {  	s5 =	sshll.u32 @p0 s5, $0xE  }
0xa9: {  	s5 =	sadd.s32 @p0 $0x11B8D, s5;
	s6 =	sshll.u32 @p0 s4, $0x11  }
0xaa: {  	s5 =	sor.u32 @p0 s6, s5  }
0xab: {  	[sflag:s5] =	ssyncadd.remote.s32 @p0 $0x1;
	_ =	sdelay $0x1  }
0xac: {  	s5 =	simm.s32 @p0 $0x1B8D  }
0xad: {  	_ =	swait.eq @p0 [sflag:s5], $0x1  }
0xae: {  	[sflag:s5] =	ssyncadd.s32 @p0 $0xFFFFFFFF  }
0xaf: {  	s6 =	sshll.u32 @!p0 s1, $0xE  }
0xb0: {  	s6 =	sor.u32 @!p0 $0x4000, s6;
	s5 =	simm.s32 @!p0 $0x1B8D  }
0xb1: {  	s4 =	sshll.u32 @!p0 s4, $0x11;
	s6 =	sadd.s32 @!p0 $0x11B8D, s6;
	_ =	swait.eq @!p0 [sflag:s5], $0x1  }
0xb2: {  	s4 =	sor.u32 @!p0 s4, s6;
	[sflag:s5] =	ssyncadd.s32 @!p0 $0xFFFFFFFF  }
0xb3: {  	s25 =	simm.s32 $0x1B8E;
	s24 =	sld [smem:$0x3FFE];
	[sflag:s4] =	ssyncadd.remote.s32 @!p0 $0x1  }
0xb4: {  	s26 =	simm.s32 $execute0_lowered;
	[smem:$0x3FD2] =	sst s25  }
0xb5: {  	s5 =	sshll.u32 s26, $0x1;
	_ =	strace $0x8000004F;
	[dreg:$0x1] =	wrdreg $0xFFFFFFFF  }
0xb6: {  	s28 =	simm.s32 $_size_execute0_lowered;
	s3 =	sadd.s32 s3, s5;
	[dreg:$0x0] =	wrdreg $0x0  }
0xb7: {  	s5 =	sshll.u32 s28, $0x1;
	[dreg:$0x2] =	wrdreg s3  }
0xb8: {  	[dreg:$0x3] =	wrdreg s5  }
0xb9: {  	[dreg:$0x4] =	wrdreg $0xC0  }
0xba: {  	_ =	task [dreg:s22], $0x5FFFF  }
0xbb: {  	[dreg:$0x1] =	wrdreg $0xFFFFFFFF  }
0xbc: {  	[dreg:$0x0] =	wrdreg $0x60  }
0xbd: {  	[dreg:$0x2] =	wrdreg s24  }
0xbe: {  	[dreg:$0x3] =	wrdreg $0xA  }
0xbf: {  	_ =	task.clear_ibuf [dreg:s22], $0x4FFFF;
	_ =	strace $0x9000004F  }
0xc0: {  	s29 =	simm.s32 $0xA;
	_ =	strace $0x80000051  }
0xc1: {  	_ =	swait.ge [sflag:s29], $0x1  }
0xc2: {  	[sflag:s29] =	ssyncadd.s32 $0xFFFFFFFF  }
0xc3: {  	_ =	strace $0x90000051  }
0xc4: {  	_ =	sfence  }
0xc5: {  	s30 =	sld [smem:$0x0];
	_ =	sdelay $0x2  }
0xc6: {  	s31 =	sshll.u32 s1, $0xD;
	s1 =	sshrl.u32 s1, $0x2  }
0xc7: {  	s4 =	sand.u32 $0x4000, s31;
	s1 =	sadd.s32 s1, s30  }
0xc8: {  	s0 =	sor.u32 s4, s0;
	s1 =	sshll.u32 s1, $0x11  }
0xc9: {  	s0 =	sor.u32 s1, s0  }
0xca: {  	s0 =	sadd.s32 $0x8F2B, s0  }
0xcb: {  	[sflag:s0] =	ssyncadd.remote.s32 $0x1  }
0xcc: {  	_ =	sfence.sel $0xFFFF  }
0xcd: {  	[dreg:$0x0] =	wrdreg $0xFFFFFFFF;
	(pc) =	sbr.abs _section_cstart, $3  }
0xce: {  	[dreg:$0x1] =	wrdreg $0xFFFFFFFF  }
0xcf: {  	_ =	task.clear_ibuf [dreg:s22], $0x2FFFF;
	_ =	strace $0x9FFFFFFF  }
0xd0: {  	(tm) =	ssettm $0x7FFFFFFF  }
0xd1: {  	_ =	shalt  }
tec
execute0_lowered:
.L_overlay_start_1:
0x0: {  	(tag) =	ssettag $0x1  }
0x1: {  	s7 =	rddreg [dreg:$0x0]  }
0x2: {  	s0 =	rddreg [dreg:$0x1];
	_ =	strace $0x80000050  }
0x3: {  	s1 =	srdreg.scid;
	s4 =	simm.s32 $0x1;
	s9 =	simm.s32 $0x3  }
0x4: {  	s12 =	simm.s32 $0x0;
	s10 =	simm.s32 $0x0;
	s5 =	sshll.u32 s1, $0x4  }
.Ltmp0:
0x5: {  	s1 =	stileid.u32;
	s5 =	sand.u32 $0x10, s5;
	(pc) =	sbr.rel .LBB2_1-.Ltmp0, $4  }
0x6: {  	s2 =	sadd.s32 $0x1200, s7;
	s3 =	sadd.s32 $0xF73C00, s7;
	s6 =	sor.u32 s1, s5  }
0x7: {  	[sflag:s4] =	ssyncpa.u1 $0x0;
	s5 =	simm.s32 $0x2;
	s6 =	sshll.u32 s6, $0x7  }
0x8: {  	s7 =	sadd.s32 $0xF53C00, s7;
	[sflag:s5] =	ssyncpa.u1 $0x0;
	s8 =	sadd.s32 $0x80, s6  }
0x9: {  	vm0 =	vmmov $0xff;
	vm1 =	vcmask $0x3F20;
	[sflag:s9] =	ssyncpa.u1 $0x0;
	s9 =	simm.s32 $0x80;
	s11 =	smov.u32 s6  }
.LBB2_9:
0xa: {  	p0 =	seq.s32 s10, $0x2  }
.Ltmp1:
0xb: {  	_ = 	snop;
	(pc) =	sbr.rel @p0 .LBB2_11-.Ltmp1, $1  }
0xc: {  	_ =	sdelay $0x3  }
.LBB2_10:
0xd: {  	s12 =	sadd.s32 $0x80, s11  }
0xe: {  	s13 =	smov.u32 s6;
	p0 =	slt.s32 s12, s8  }
0xf: {  	s13 =	smov.u32 @p0 s12  }
0x10: {  	s10 =	sadd.s32 $0x1, s10;
	s12 =	smov.u32 s11;
	s11 =	smov.u32 s13  }
.LBB2_1:
0x11: {  	p0 =	sne.s32 s10, $0x0  }
.Ltmp2:
0x12: {  	_ = 	snop;
	(pc) =	sbr.rel @!p0 .LBB2_2-.Ltmp2, $1  }
0x13: {  	_ =	sdelay $0x3  }
0x14: {  	s13 =	sand.u32 $0x1, s10  }
0x15: {  	p0 =	seq.s32 s13, $0x0  }
.Ltmp3:
0x16: {  	_ = 	snop;
	(pc) =	sbr.rel @p0 .LBB2_9-.Ltmp3, $1  }
0x17: {  	_ =	sdelay $0x3  }
0x18: {  	_ =	swait.ge [sflag:s5], $0x80  }
0x19: {  	[sflag:s5] =	ssyncset.done $0x0  }
0x1a: {  	s13 =	simm.s32 $0x0;
	[sflag:s5] =	ssyncadd.s32 $0xFFFFFF80  }
0x1b: {  	v0 =	vld.msk [tilespmem:s13+$0x80 ss:$0x1], $0xffff;
	_ =	sdelay $0x4  }
0x1c: {  	vm2 =	vgt.s32 v0, $0x0  }
0x1d: {  	v0 =	vnsel vm2, $0x0, v0  }
0x1e: {  	v0 =	vmin.u32 v0, $0xF423F  }
0x1f: {  	v0 =	vshll.u32 v0, $0x4;
	_ =	sdelay $0x3  }
0x20: {  	s13 =	simm.s32 $0x4100  }
0x21: {  	[tilespmem:s13], [sflag:$0x1] =	stream.indirect_vreg.gather [hbm:s2], $0x80, v0, vm0, $0x38;
	[tilespmem:$0x8100] =	vst v63  }
0x22: {  	s14 =	simm.s32 $0x4500;
	s31 =	simm.s32 $0x10  }
0x23: {  	[tilespmem:s14], [sflag:$0x1] =	stream.indirect_vreg.gather [hbm:s2], $0x80, v0, vm1, $0x38;
	[tilespmem:$0x8100] =	vst v63  }
0x24: {  	s14 =	simm.s32 $0x80;
	v0 =	vld.msk [tilespmem:s31+$0x80 ss:$0x1], $0xffff  }
.LBB2_5:
0x25: {  	p0 =	sne.s32 s14, $0x1C0;
	_ =	sdelay $0x4  }
0x26: {  	vm2 =	vgt.s32 v0, $0x0  }
0x27: {  	v0 =	vnsel vm2, $0x0, v0  }
0x28: {  	v0 =	vmin.u32 v0, $0xF423F  }
0x29: {  	v0 =	vshll.u32 v0, $0x4;
	_ =	sdelay $0x3  }
.Ltmp4:
0x2a: {  	s13 =	sadd.s32 $0x800, s13;
	(pc) =	sbr.rel @p0 .LBB2_5-.Ltmp4, $4  }
0x2b: {  	[tilespmem:s13], [sflag:$0x1] =	stream.indirect_vreg.gather [hbm:s2], $0x80, v0, vm0, $0x38;
	[tilespmem:$0x8100] =	vst v63  }
0x2c: {  	s15 =	sshra.s32 s14, $0x2;
	s16 =	sadd.s32 $0x400, s13  }
0x2d: {  	[tilespmem:s16], [sflag:$0x1] =	stream.indirect_vreg.gather [hbm:s2], $0x80, v0, vm1, $0x38;
	[tilespmem:$0x8100] =	vst v63  }
0x2e: {  	s14 =	sadd.s32 $0x40, s14;
	v0 =	vld.msk [tilespmem:s15+$0x80 ss:$0x1], $0xffff  }
0x2f: {  	_ =	sdelay $0x3  }
0x30: {  	vm2 =	vgt.s32 v0, $0x0  }
0x31: {  	v0 =	vnsel vm2, $0x0, v0  }
0x32: {  	v0 =	vmin.u32 v0, $0xF423F  }
0x33: {  	v0 =	vshll.u32 v0, $0x4;
	_ =	sdelay $0x3  }
0x34: {  	s13 =	sadd.s32 $0x800, s13  }
0x35: {  	[tilespmem:s13], [sflag:$0x1] =	stream.indirect_vreg.gather [hbm:s2], $0x80, v0, vm0, $0x38;
	[tilespmem:$0x8100] =	vst v63  }
0x36: {  	s13 =	sadd.s32 $0x400, s13  }
0x37: {  	[tilespmem:s13], [sflag:$0x1] =	stream.indirect_vreg.gather [hbm:s2], $0x80, v0, vm1, $0x38;
	[tilespmem:$0x8100] =	vst v63  }
0x38: {  	s12 =	sshll.u32 s12, $0x4;
	s14 =	simm.s32 $0x80;
	_ =	swait.ge [sflag:s4], $0x4000  }
0x39: {  	s15 =	simm.s32 $0x4500;
	s12 =	sadd.s32 s12, s7;
	[sflag:s4] =	ssyncset.done $0x0  }
0x3a: {  	s16 =	sadd.s32 $0x0, s12;
	s13 =	simm.s32 $0x4100;
	[sflag:s4] =	ssyncadd.s32 $0xFFFFC000  }
.LBB2_7:
0x3b: {  	[hbm:s16] =	stream.linear.scatter [tilespmem:s13], [sflag:$0x3], $0x400, $0x38;
	[tilespmem:$0x8100] =	vst v63  }
0x3c: {  	s16 =	smov.u32 s14;
	s13 =	smov.u32 s15;
	p0 =	sne.s32 s14, $0x780  }
.Ltmp5:
0x3d: {  	s14 =	sadd.s32 $0x80, s14;
	(pc) =	sbr.rel @p0 .LBB2_7-.Ltmp5, $2  }
0x3e: {  	_ =	sdelay $0x2  }
0x3f: {  	s15 =	sadd.s32 $0x400, s15;
	s16 =	sadd.s32 s16, s12  }
.Ltmp6:
0x40: {  	(pc) =	sbr.rel .LBB2_9-.Ltmp6, $2  }
0x41: {  	_ =	sdelay $0x2  }
0x42: {  	[hbm:s16] =	stream.linear.scatter [tilespmem:s13], [sflag:$0x3], $0x400, $0x38;
	[tilespmem:$0x8100] =	vst v63  }
.LBB2_2:
.Ltmp7:
0x43: {  	(pc) =	sbr.rel .LBB2_10-.Ltmp7, $4  }
0x44: {  	_ = 	snop  }
0x45: {  	s12 =	sshrl.u32 s11, $0x3  }
0x46: {  	s13 =	sand.u32 $0x7, s11;
	s12 =	sadd.s32 s3, s12  }
0x47: {  	[tilespmem:s9], [sflag:$0x2] =	stream.linear.gather [hbm4b:s12+s13], $0x80, $0x38;
	[tilespmem:$0x8100] =	vst v63  }
.LBB2_11:
0x48: {  	s2 =	simm.s32 $0x3  }
0x49: {  	_ =	swait.ge [sflag:s2], $0x4000  }
0x4a: {  	[sflag:s2] =	ssyncset.done $0x0  }
0x4b: {  	[sflag:s2] =	ssyncadd.s32 $0xFFFFC000  }
0x4c: {  	_ =	sfence.sel $0x180000  }
0x4d: {  	s3 =	simm.s32 $0x2;
	[bflag:$0x0] =	sbarrier.arrive $0xFFFF  }
0x4e: {  	[sflag:s3] =	ssyncpa.u1 $0x1  }
0x4f: {  	s31 =	simm.s32 $0x1;
	[sflag:s2] =	ssyncpa.u1 $0x1  }
0x50: {  	[sflag:s31] =	ssyncpa.u1 $0x1  }
0x51: {  	p0 =	sne.s32 s1, $0x0;
	_ =	strace $0x90000050  }
0x52: {  	s0 =	sadd.s32 @!p0 $0x100000, s0;
	[bflag:$0x2] =	sbarrier.arrive $0xFFFF  }
0x53: {  	[sflag:s0] =	ssyncadd.tile.s32 @!p0 $0x1;
	_ =	shalt  }
.Lfunc_end2:
_tile_overlayer_lowered:
.L_overlay_start_2:
0x54: {  	(tag) =	ssettag $0x2  }
0x55: {  	s0 =	rddreg [dreg:$0x0];
	s2 =	stileid.u32  }
0x56: {  	s1 =	rddreg [dreg:$0x1];
	p0 =	sne.s32 s2, $0x0  }
0x57: {  	s3 =	rddreg [dreg:$0x2];
	[bflag:$0x3] =	sbarrier.arrive $0xFFFF;
	s2 =	simm.s32 @!p0 $0x1C01  }
0x58: {  	[timem:s3], [sflag:s2] =	dma.local @!p0 [hbm:s0], s1  }
0x59: {  	s0 =	simm.s32 @!p0 $0x1  }
0x5a: {  	_ =	swait.ge @!p0 [sflag:s0], s1  }
0x5b: {  	s1 =	ssub.s32 @!p0 $0x0, s1;
	[sflag:s0] =	ssyncset.done @!p0 $0x0  }
0x5c: {  	[sflag:s0] =	ssyncadd.s32 @!p0 s1  }
0x5d: {  	[bflag:$0x3] =	sbarrier.arrive $0xFFFF  }
0x5e: {  	_ =	shalt  }

// kernel: gather_offload_async_start.3
scs
__scs_entry_jumppad:
0x0: {  	(pc) =	sbr.rel $0x88, $3  }
0x1: {  	(tag) =	ssettag $0x0;
	lr =	simm.s32 $0x1  }
0x2: {  	[smem:$0x3F99] =	sst lr;
	_ =	strace $0xD0000000  }
0x3: {  	_ = 	snop  }
0x4: {  	_ = 	snop  }
0x5: {  	_ = 	snop  }
0x6: {  	_ = 	snop  }
0x7: {  	_ = 	snop  }
__scs_overlays_trampoline_lowered:
0x8: {  	[smem:$0x3FA8] =	sst s0  }
0x9: {  	[smem:$0x3FA9] =	sst s1  }
0xa: {  	[smem:$0x3FAA] =	sst s2  }
0xb: {  	[smem:$0x3FAB] =	sst s3  }
0xc: {  	[smem:$0x3FAC] =	sst s4  }
0xd: {  	[smem:$0x3FAD] =	sst s5  }
0xe: {  	[smem:$0x3FAE] =	sst s6  }
0xf: {  	[smem:$0x3FAF] =	sst s7  }
0x10: {  	[smem:$0x3FB0] =	sst s8  }
0x11: {  	[smem:$0x3FB1] =	sst s9;
	s0 =	simm.s32 @!p0 $0x0  }
0x12: {  	s1 =	sld [smem:$0x3F97];
	s0 =	simm.s32 @p0 $0x1  }
0x13: {  	[smem:$0x3FB2] =	sst s0;
	s0 =	simm.s32 @!p1 $0x0  }
0x14: {  	s2 =	sld [smem:$0x3F96];
	s0 =	simm.s32 @p1 $0x1  }
0x15: {  	[smem:$0x3FB3] =	sst s0;
	s0 =	simm.s32 @!p2 $0x0  }
0x16: {  	s3 =	sld [smem:$0x3FDB];
	s0 =	simm.s32 @p2 $0x1  }
0x17: {  	s4 =	simm.s32 $0x1BF5;
	[smem:$0x3FB5] =	sst s0  }
0x18: {  	s0 =	sld [smem:$0x3F98];
	_ =	swait.ge [sflag:s4], $0x0  }
0x19: {  	s7 =	sld [smem:$0x3F99]  }
0x1a: {  	s8 =	sadd.s32 $0xFFFFE003, lr  }
0x1b: {  	s9 =	sadd.s32 $0xFFFFFEF7, lr;
	s5 =	simm.s32 $0xFFFFFFFF;
	p2 =	slt.u32 s8, $0xFFFFF086  }
0x1c: {  	p1 =	slt.u32 s9, $0xF7A;
	s5 =	simm.s32 @!p2 $0x0  }
0x1d: {  	s5 =	simm.s32 @p1 $0x1;
	p0 =	seq.s32 s7, s2  }
0x1e: {  	s7 =	smul.u32 @!p0 $0xF7A, s2;
	p2 =	seq.s32 @!p0 s5, $0x0  }
0x1f: {  	s9 =	smul.u32 $0xF7A, s1;
	s8 =	simm.s32 @!p0 $0x1BF5;
	p2 =	por !p2, p0  }
0x20: {  	[sflag:s8] =	ssyncset.s32 @!p0 $0xFFFFF086;
	s6 =	sadd.s32 @!p0 s3, s7;
	s7 =	simm.s32 @!p0 $0x108  }
0x21: {  	s3 =	sadd.s32 s3, s9;
	s6 =	sadd.s32 @!p0 $0x88, s6;
	s7 =	simm.s32 @p2 $0x1082  }
0x22: {  	[simem:s7], [sflag:s8] =	dma.local @!p0 [hbm:s6], $0xF7A  }
0x23: {  	s9 =	sor.u32 $0xD0000000, s2;
	s6 =	simm.s32 $0x108;
	_ =	swait.ge @!p0 [sflag:s8], $0x0  }
0x24: {  	s3 =	sadd.s32 $0x88, s3;
	s6 =	simm.s32 @!p1 $0x1082;
	[sflag:s4] =	ssyncset.s32 $0xFFFFF086  }
0x25: {  	[simem:s6], [sflag:s4] =	dma.local [hbm:s3], $0xF7A  }
0x26: {  	[smem:$0x3F99] =	sst s1;
	(tag) =	ssettag s2;
	_ =	strace s9  }
0x27: {  	s1 =	sld [smem:$0x3FA9]  }
0x28: {  	s2 =	sld [smem:$0x3FAA]  }
0x29: {  	s4 =	sld [smem:$0x3FAC]  }
0x2a: {  	p0 =	seq.s32 s5, $0x0;
	s5 =	sld [smem:$0x3FAD]  }
0x2b: {  	s6 =	sld [smem:$0x3FAE]  }
0x2c: {  	s7 =	sld [smem:$0x3FAF]  }
0x2d: {  	s3 =	simm.s32 $0x108;
	s8 =	sld [smem:$0x3FB0]  }
0x2e: {  	s3 =	simm.s32 @!p0 $0x1082;
	s9 =	sld [smem:$0x3FB1]  }
0x2f: {  	lr =	sadd.s32 s0, s3;
	s0 =	sld [smem:$0x3FA8]  }
0x30: {  	s3 =	sld [smem:$0x3FAB]  }
0x31: {  	[smem:$0x3FB4] =	sst s10  }
0x32: {  	s10 =	sld [smem:$0x3FB2];
	_ =	sdelay $0x3  }
0x33: {  	p0 =	seq.s32 s10, $0x1;
	s10 =	sld [smem:$0x3FB4];
	_ =	sdelay $0x3  }
0x34: {  	[smem:$0x3FB4] =	sst s10  }
0x35: {  	s10 =	sld [smem:$0x3FB3];
	_ =	sdelay $0x3  }
0x36: {  	p1 =	seq.s32 s10, $0x1;
	s10 =	sld [smem:$0x3FB4];
	_ =	sdelay $0x3  }
0x37: {  	[smem:$0x3FB4] =	sst s10  }
0x38: {  	s10 =	sld [smem:$0x3FB5]  }
0x39: {  	_ = 	snop;
	(pc) =	sbr.ind lr, $3  }
0x3a: {  	_ = 	snop  }
0x3b: {  	_ = 	snop  }
0x3c: {  	p2 =	seq.s32 s10, $0x1;
	s10 =	sld [smem:$0x3FB4]  }
0x3d: {  	_ =	shalt  }
0x3e: {  	_ =	shalt  }
0x3f: {  	_ =	shalt  }
0x40: {  	_ =	shalt  }
0x41: {  	_ =	shalt  }
0x42: {  	_ =	shalt  }
0x43: {  	_ =	shalt  }
0x44: {  	_ =	shalt  }
0x45: {  	_ =	shalt  }
0x46: {  	_ =	shalt  }
0x47: {  	_ =	shalt  }
0x48: {  	_ =	shalt  }
0x49: {  	_ =	shalt  }
0x4a: {  	_ =	shalt  }
0x4b: {  	_ =	shalt  }
0x4c: {  	_ =	shalt  }
0x4d: {  	_ =	shalt  }
0x4e: {  	_ =	shalt  }
0x4f: {  	_ =	shalt  }
0x50: {  	_ =	shalt  }
0x51: {  	_ =	shalt  }
0x52: {  	_ =	shalt  }
0x53: {  	_ =	shalt  }
0x54: {  	_ =	shalt  }
0x55: {  	_ =	shalt  }
0x56: {  	_ =	shalt  }
0x57: {  	_ =	shalt  }
0x58: {  	_ =	shalt  }
0x59: {  	_ =	shalt  }
0x5a: {  	_ =	shalt  }
0x5b: {  	_ =	shalt  }
0x5c: {  	_ =	shalt  }
0x5d: {  	_ =	shalt  }
0x5e: {  	_ =	shalt  }
0x5f: {  	_ =	shalt  }
0x60: {  	_ =	shalt  }
0x61: {  	_ =	shalt  }
0x62: {  	_ =	shalt  }
0x63: {  	_ =	shalt  }
0x64: {  	_ =	shalt  }
0x65: {  	_ =	shalt  }
0x66: {  	_ =	shalt  }
0x67: {  	_ =	shalt  }
0x68: {  	_ =	shalt  }
0x69: {  	_ =	shalt  }
0x6a: {  	_ =	shalt  }
0x6b: {  	_ =	shalt  }
0x6c: {  	_ =	shalt  }
0x6d: {  	_ =	shalt  }
0x6e: {  	_ =	shalt  }
0x6f: {  	_ =	shalt  }
0x70: {  	_ =	shalt  }
0x71: {  	_ =	shalt  }
0x72: {  	_ =	shalt  }
0x73: {  	_ =	shalt  }
0x74: {  	_ =	shalt  }
0x75: {  	_ =	shalt  }
0x76: {  	_ =	shalt  }
0x77: {  	_ =	shalt  }
0x78: {  	_ =	shalt  }
0x79: {  	_ =	shalt  }
0x7a: {  	_ =	shalt  }
0x7b: {  	_ =	shalt  }
0x7c: {  	_ =	shalt  }
0x7d: {  	_ =	shalt  }
0x7e: {  	_ =	shalt  }
0x7f: {  	_ =	shalt  }
0x80: {  	_ =	shalt  }
0x81: {  	_ =	shalt  }
0x82: {  	_ =	shalt  }
0x83: {  	_ =	shalt  }
0x84: {  	_ =	shalt  }
0x85: {  	_ =	shalt  }
0x86: {  	_ =	shalt  }
0x87: {  	_ =	shalt  }
.Lfunc_end0:
.L_simem_size_0:
called_computation.3_lowered:
.L_overlay_start_0:
0x88: {  	s2 =	sld [smem:$0x3FD9]  }
0x89: {  	s3 =	sld [smem:$0x3FFE];
	_ =	sdelay $0x1  }
0x8a: {  	s1 =	srdreg.scid  }
0x8b: {  	s0 =	sand.u32 $0x1, s1  }
0x8c: {  	s17 =	sshll.u32 s0, $0xA;
	s2 =	sadd.s32 s3, s2  }
0x8d: {  	s2 =	sadd.s32 s2, s17  }
0x8e: {  	[smem:$0x3FC0] =	sst s2  }
0x8f: {  	_ = 	snop  }
0x90: {  	(tm) =	ssettm $0x1  }
0x91: {  	s18 =	sld [smem:$0x3FFB];
	_ =	sdelay $0x3  }
0x92: {  	_ =	strace s18  }
0x93: {  	s2 =	sld [smem:$0x3FFC];
	_ =	sdelay $0x3  }
0x94: {  	_ =	strace s2  }
0x95: {  	s2 =	sld [smem:$0x3FFD];
	_ =	sdelay $0x3  }
0x96: {  	_ =	strace s2  }
0x97: {  	_ =	strace $0x8FFFFFFF  }
0x98: {  	s19 =	sld [smem:$0x3FDB];
	_ =	sdelay $0x1  }
0x99: {  	s20 =	simm.s32 $_scs_section_size  }
0x9a: {  	s4 =	simm.s32 $_size__tile_overlayer_lowered;
	s5 =	simm.s32 $_tile_overlayer_lowered  }
0x9b: {  	s6 =	simm.s32 $0x1BFF;
	s21 =	sshll.u32 s5, $0x1;
	s3 =	sadd.s32 s20, s19  }
0x9c: {  	s22 =	simm.s32 $0x0;
	s4 =	sshll.u32 s4, $0x1;
	s5 =	sadd.s32 s21, s3  }
0x9d: {  	[timem:s22], [sflag:s6] =	dma.local [hbm:s5], s4  }
0x9e: {  	_ =	swait.ge [sflag:s6], s4  }
0x9f: {  	s4 =	ssub.s32 $0x0, s4;
	[sflag:s6] =	ssyncset.done $0x0  }
0xa0: {  	[sflag:s6] =	ssyncadd.s32 s4;
	_ =	sdelay $0x1  }
0xa1: {  	s23 =	simm.s32 $0x1B8B  }
0xa2: {  	_ =	swait.ge [sflag:s23], $0x1  }
0xa3: {  	[sflag:s23] =	ssyncset.done $0x0  }
0xa4: {  	[sflag:s23] =	ssyncadd.s32 $0xFFFFFFFF  }
0xa5: {  	s4 =	sld [smem:$0x0]  }
0xa6: {  	s5 =	sand.u32 $0xFFFFFFFE, s1  }
0xa7: {  	p0 =	sne.s32 s1, s5  }
0xa8: {  	s5 =	sshll.u32 @p0 s5, $0xE  }
0xa9: {  	s5 =	sadd.s32 @p0 $0x11B8D, s5;
	s6 =	sshll.u32 @p0 s4, $0x11  }
0xaa: {  	s5 =	sor.u32 @p0 s6, s5  }
0xab: {  	[sflag:s5] =	ssyncadd.remote.s32 @p0 $0x1;
	_ =	sdelay $0x1  }
0xac: {  	s5 =	simm.s32 @p0 $0x1B8D  }
0xad: {  	_ =	swait.eq @p0 [sflag:s5], $0x1  }
0xae: {  	[sflag:s5] =	ssyncadd.s32 @p0 $0xFFFFFFFF  }
0xaf: {  	s6 =	sshll.u32 @!p0 s1, $0xE  }
0xb0: {  	s6 =	sor.u32 @!p0 $0x4000, s6;
	s5 =	simm.s32 @!p0 $0x1B8D  }
0xb1: {  	s4 =	sshll.u32 @!p0 s4, $0x11;
	s6 =	sadd.s32 @!p0 $0x11B8D, s6;
	_ =	swait.eq @!p0 [sflag:s5], $0x1  }
0xb2: {  	s4 =	sor.u32 @!p0 s4, s6;
	[sflag:s5] =	ssyncadd.s32 @!p0 $0xFFFFFFFF  }
0xb3: {  	s25 =	simm.s32 $0x1B8E;
	s24 =	sld [smem:$0x3FFE];
	[sflag:s4] =	ssyncadd.remote.s32 @!p0 $0x1  }
0xb4: {  	s26 =	simm.s32 $execute0_lowered;
	[smem:$0x3FD2] =	sst s25  }
0xb5: {  	s5 =	sshll.u32 s26, $0x1;
	_ =	strace $0x8000004C;
	[dreg:$0x1] =	wrdreg $0xFFFFFFFF  }
0xb6: {  	s28 =	simm.s32 $_size_execute0_lowered;
	s3 =	sadd.s32 s3, s5;
	[dreg:$0x0] =	wrdreg $0x0  }
0xb7: {  	s5 =	sshll.u32 s28, $0x1;
	[dreg:$0x2] =	wrdreg s3  }
0xb8: {  	[dreg:$0x3] =	wrdreg s5  }
0xb9: {  	[dreg:$0x4] =	wrdreg $0xC0  }
0xba: {  	_ =	task [dreg:s22], $0x5FFFF  }
0xbb: {  	[dreg:$0x1] =	wrdreg $0xFFFFFFFF  }
0xbc: {  	[dreg:$0x0] =	wrdreg $0x60  }
0xbd: {  	[dreg:$0x2] =	wrdreg s24  }
0xbe: {  	[dreg:$0x3] =	wrdreg $0x9  }
0xbf: {  	_ =	task.clear_ibuf [dreg:s22], $0x4FFFF;
	_ =	strace $0x9000004C  }
0xc0: {  	s29 =	simm.s32 $0x9;
	_ =	strace $0x8000004E  }
0xc1: {  	_ =	swait.ge [sflag:s29], $0x1  }
0xc2: {  	[sflag:s29] =	ssyncadd.s32 $0xFFFFFFFF  }
0xc3: {  	_ =	strace $0x9000004E  }
0xc4: {  	_ =	sfence  }
0xc5: {  	s30 =	sld [smem:$0x0];
	_ =	sdelay $0x2  }
0xc6: {  	s31 =	sshll.u32 s1, $0xD;
	s1 =	sshrl.u32 s1, $0x2  }
0xc7: {  	s4 =	sand.u32 $0x4000, s31;
	s1 =	sadd.s32 s1, s30  }
0xc8: {  	s0 =	sor.u32 s4, s0;
	s1 =	sshll.u32 s1, $0x11  }
0xc9: {  	s0 =	sor.u32 s1, s0  }
0xca: {  	s0 =	sadd.s32 $0x8F2B, s0  }
0xcb: {  	[sflag:s0] =	ssyncadd.remote.s32 $0x1  }
0xcc: {  	_ =	sfence.sel $0xFFFF  }
0xcd: {  	[dreg:$0x0] =	wrdreg $0xFFFFFFFF;
	(pc) =	sbr.abs _section_cstart, $3  }
0xce: {  	[dreg:$0x1] =	wrdreg $0xFFFFFFFF  }
0xcf: {  	_ =	task.clear_ibuf [dreg:s22], $0x2FFFF;
	_ =	strace $0x9FFFFFFF  }
0xd0: {  	(tm) =	ssettm $0x7FFFFFFF  }
0xd1: {  	_ =	shalt  }
tec
execute0_lowered:
.L_overlay_start_1:
0x0: {  	(tag) =	ssettag $0x1  }
0x1: {  	s7 =	rddreg [dreg:$0x0]  }
0x2: {  	s0 =	rddreg [dreg:$0x1];
	_ =	strace $0x8000004D  }
0x3: {  	s1 =	srdreg.scid;
	s4 =	simm.s32 $0x1;
	s9 =	simm.s32 $0x3  }
0x4: {  	s12 =	simm.s32 $0x0;
	s10 =	simm.s32 $0x0;
	s5 =	sshll.u32 s1, $0x4  }
.Ltmp0:
0x5: {  	s1 =	stileid.u32;
	s5 =	sand.u32 $0x10, s5;
	(pc) =	sbr.rel .LBB2_1-.Ltmp0, $4  }
0x6: {  	s2 =	sadd.s32 $0x1200, s7;
	s3 =	sadd.s32 $0xF53A00, s7;
	s6 =	sor.u32 s1, s5  }
0x7: {  	[sflag:s4] =	ssyncpa.u1 $0x0;
	s5 =	simm.s32 $0x2;
	s6 =	sshll.u32 s6, $0x7  }
0x8: {  	s7 =	sadd.s32 $0xF63C00, s7;
	[sflag:s5] =	ssyncpa.u1 $0x0;
	s8 =	sadd.s32 $0x80, s6  }
0x9: {  	vm0 =	vmmov $0xff;
	vm1 =	vcmask $0x3F20;
	[sflag:s9] =	ssyncpa.u1 $0x0;
	s9 =	simm.s32 $0x80;
	s11 =	smov.u32 s6  }
.LBB2_9:
0xa: {  	p0 =	seq.s32 s10, $0x2  }
.Ltmp1:
0xb: {  	_ = 	snop;
	(pc) =	sbr.rel @p0 .LBB2_11-.Ltmp1, $1  }
0xc: {  	_ =	sdelay $0x3  }
.LBB2_10:
0xd: {  	s12 =	sadd.s32 $0x80, s11  }
0xe: {  	s13 =	smov.u32 s6;
	p0 =	slt.s32 s12, s8  }
0xf: {  	s13 =	smov.u32 @p0 s12  }
0x10: {  	s10 =	sadd.s32 $0x1, s10;
	s12 =	smov.u32 s11;
	s11 =	smov.u32 s13  }
.LBB2_1:
0x11: {  	p0 =	sne.s32 s10, $0x0  }
.Ltmp2:
0x12: {  	_ = 	snop;
	(pc) =	sbr.rel @!p0 .LBB2_2-.Ltmp2, $1  }
0x13: {  	_ =	sdelay $0x3  }
0x14: {  	s13 =	sand.u32 $0x1, s10  }
0x15: {  	p0 =	seq.s32 s13, $0x0  }
.Ltmp3:
0x16: {  	_ = 	snop;
	(pc) =	sbr.rel @p0 .LBB2_9-.Ltmp3, $1  }
0x17: {  	_ =	sdelay $0x3  }
0x18: {  	_ =	swait.ge [sflag:s5], $0x80  }
0x19: {  	[sflag:s5] =	ssyncset.done $0x0  }
0x1a: {  	s13 =	simm.s32 $0x0;
	[sflag:s5] =	ssyncadd.s32 $0xFFFFFF80  }
0x1b: {  	v0 =	vld.msk [tilespmem:s13+$0x80 ss:$0x1], $0xffff;
	_ =	sdelay $0x4  }
0x1c: {  	vm2 =	vgt.s32 v0, $0x0  }
0x1d: {  	v0 =	vnsel vm2, $0x0, v0  }
0x1e: {  	v0 =	vmin.u32 v0, $0xF423F  }
0x1f: {  	v0 =	vshll.u32 v0, $0x4;
	_ =	sdelay $0x3  }
0x20: {  	s13 =	simm.s32 $0x4100  }
0x21: {  	[tilespmem:s13], [sflag:$0x1] =	stream.indirect_vreg.gather [hbm:s2], $0x80, v0, vm0, $0x38;
	[tilespmem:$0x8100] =	vst v63  }
0x22: {  	s14 =	simm.s32 $0x4500;
	s31 =	simm.s32 $0x10  }
0x23: {  	[tilespmem:s14], [sflag:$0x1] =	stream.indirect_vreg.gather [hbm:s2], $0x80, v0, vm1, $0x38;
	[tilespmem:$0x8100] =	vst v63  }
0x24: {  	s14 =	simm.s32 $0x80;
	v0 =	vld.msk [tilespmem:s31+$0x80 ss:$0x1], $0xffff  }
.LBB2_5:
0x25: {  	p0 =	sne.s32 s14, $0x1C0;
	_ =	sdelay $0x4  }
0x26: {  	vm2 =	vgt.s32 v0, $0x0  }
0x27: {  	v0 =	vnsel vm2, $0x0, v0  }
0x28: {  	v0 =	vmin.u32 v0, $0xF423F  }
0x29: {  	v0 =	vshll.u32 v0, $0x4;
	_ =	sdelay $0x3  }
.Ltmp4:
0x2a: {  	s13 =	sadd.s32 $0x800, s13;
	(pc) =	sbr.rel @p0 .LBB2_5-.Ltmp4, $4  }
0x2b: {  	[tilespmem:s13], [sflag:$0x1] =	stream.indirect_vreg.gather [hbm:s2], $0x80, v0, vm0, $0x38;
	[tilespmem:$0x8100] =	vst v63  }
0x2c: {  	s15 =	sshra.s32 s14, $0x2;
	s16 =	sadd.s32 $0x400, s13  }
0x2d: {  	[tilespmem:s16], [sflag:$0x1] =	stream.indirect_vreg.gather [hbm:s2], $0x80, v0, vm1, $0x38;
	[tilespmem:$0x8100] =	vst v63  }
0x2e: {  	s14 =	sadd.s32 $0x40, s14;
	v0 =	vld.msk [tilespmem:s15+$0x80 ss:$0x1], $0xffff  }
0x2f: {  	_ =	sdelay $0x3  }
0x30: {  	vm2 =	vgt.s32 v0, $0x0  }
0x31: {  	v0 =	vnsel vm2, $0x0, v0  }
0x32: {  	v0 =	vmin.u32 v0, $0xF423F  }
0x33: {  	v0 =	vshll.u32 v0, $0x4;
	_ =	sdelay $0x3  }
0x34: {  	s13 =	sadd.s32 $0x800, s13  }
0x35: {  	[tilespmem:s13], [sflag:$0x1] =	stream.indirect_vreg.gather [hbm:s2], $0x80, v0, vm0, $0x38;
	[tilespmem:$0x8100] =	vst v63  }
0x36: {  	s13 =	sadd.s32 $0x400, s13  }
0x37: {  	[tilespmem:s13], [sflag:$0x1] =	stream.indirect_vreg.gather [hbm:s2], $0x80, v0, vm1, $0x38;
	[tilespmem:$0x8100] =	vst v63  }
0x38: {  	s12 =	sshll.u32 s12, $0x4;
	s14 =	simm.s32 $0x80;
	_ =	swait.ge [sflag:s4], $0x4000  }
0x39: {  	s15 =	simm.s32 $0x4500;
	s12 =	sadd.s32 s12, s7;
	[sflag:s4] =	ssyncset.done $0x0  }
0x3a: {  	s16 =	sadd.s32 $0x0, s12;
	s13 =	simm.s32 $0x4100;
	[sflag:s4] =	ssyncadd.s32 $0xFFFFC000  }
.LBB2_7:
0x3b: {  	[hbm:s16] =	stream.linear.scatter [tilespmem:s13], [sflag:$0x3], $0x400, $0x38;
	[tilespmem:$0x8100] =	vst v63  }
0x3c: {  	s16 =	smov.u32 s14;
	s13 =	smov.u32 s15;
	p0 =	sne.s32 s14, $0x780  }
.Ltmp5:
0x3d: {  	s14 =	sadd.s32 $0x80, s14;
	(pc) =	sbr.rel @p0 .LBB2_7-.Ltmp5, $2  }
0x3e: {  	_ =	sdelay $0x2  }
0x3f: {  	s15 =	sadd.s32 $0x400, s15;
	s16 =	sadd.s32 s16, s12  }
.Ltmp6:
0x40: {  	(pc) =	sbr.rel .LBB2_9-.Ltmp6, $2  }
0x41: {  	_ =	sdelay $0x2  }
0x42: {  	[hbm:s16] =	stream.linear.scatter [tilespmem:s13], [sflag:$0x3], $0x400, $0x38;
	[tilespmem:$0x8100] =	vst v63  }
.LBB2_2:
.Ltmp7:
0x43: {  	(pc) =	sbr.rel .LBB2_10-.Ltmp7, $4  }
0x44: {  	_ = 	snop  }
0x45: {  	s12 =	sshrl.u32 s11, $0x3  }
0x46: {  	s13 =	sand.u32 $0x7, s11;
	s12 =	sadd.s32 s3, s12  }
0x47: {  	[tilespmem:s9], [sflag:$0x2] =	stream.linear.gather [hbm4b:s12+s13], $0x80, $0x38;
	[tilespmem:$0x8100] =	vst v63  }
.LBB2_11:
0x48: {  	s2 =	simm.s32 $0x3  }
0x49: {  	_ =	swait.ge [sflag:s2], $0x4000  }
0x4a: {  	[sflag:s2] =	ssyncset.done $0x0  }
0x4b: {  	[sflag:s2] =	ssyncadd.s32 $0xFFFFC000  }
0x4c: {  	_ =	sfence.sel $0x180000  }
0x4d: {  	s3 =	simm.s32 $0x2;
	[bflag:$0x0] =	sbarrier.arrive $0xFFFF  }
0x4e: {  	[sflag:s3] =	ssyncpa.u1 $0x1  }
0x4f: {  	s31 =	simm.s32 $0x1;
	[sflag:s2] =	ssyncpa.u1 $0x1  }
0x50: {  	[sflag:s31] =	ssyncpa.u1 $0x1  }
0x51: {  	p0 =	sne.s32 s1, $0x0;
	_ =	strace $0x9000004D  }
0x52: {  	s0 =	sadd.s32 @!p0 $0x100000, s0;
	[bflag:$0x2] =	sbarrier.arrive $0xFFFF  }
0x53: {  	[sflag:s0] =	ssyncadd.tile.s32 @!p0 $0x1;
	_ =	shalt  }
.Lfunc_end2:
_tile_overlayer_lowered:
.L_overlay_start_2:
0x54: {  	(tag) =	ssettag $0x2  }
0x55: {  	s0 =	rddreg [dreg:$0x0];
	s2 =	stileid.u32  }
0x56: {  	s1 =	rddreg [dreg:$0x1];
	p0 =	sne.s32 s2, $0x0  }
0x57: {  	s3 =	rddreg [dreg:$0x2];
	[bflag:$0x3] =	sbarrier.arrive $0xFFFF;
	s2 =	simm.s32 @!p0 $0x1C01  }
0x58: {  	[timem:s3], [sflag:s2] =	dma.local @!p0 [hbm:s0], s1  }
0x59: {  	s0 =	simm.s32 @!p0 $0x1  }
0x5a: {  	_ =	swait.ge @!p0 [sflag:s0], s1  }
0x5b: {  	s1 =	ssub.s32 @!p0 $0x0, s1;
	[sflag:s0] =	ssyncset.done @!p0 $0x0  }
0x5c: {  	[sflag:s0] =	ssyncadd.s32 @!p0 s1  }
0x5d: {  	[bflag:$0x3] =	sbarrier.arrive $0xFFFF  }
0x5e: {  	_ =	shalt  }

// kernel: gather_offload_async_start
scs
__scs_entry_jumppad:
0x0: {  	(pc) =	sbr.rel $0x88, $3  }
0x1: {  	(tag) =	ssettag $0x0;
	lr =	simm.s32 $0x1  }
0x2: {  	[smem:$0x3F99] =	sst lr;
	_ =	strace $0xD0000000  }
0x3: {  	_ = 	snop  }
0x4: {  	_ = 	snop  }
0x5: {  	_ = 	snop  }
0x6: {  	_ = 	snop  }
0x7: {  	_ = 	snop  }
__scs_overlays_trampoline_lowered:
0x8: {  	[smem:$0x3FA8] =	sst s0  }
0x9: {  	[smem:$0x3FA9] =	sst s1  }
0xa: {  	[smem:$0x3FAA] =	sst s2  }
0xb: {  	[smem:$0x3FAB] =	sst s3  }
0xc: {  	[smem:$0x3FAC] =	sst s4  }
0xd: {  	[smem:$0x3FAD] =	sst s5  }
0xe: {  	[smem:$0x3FAE] =	sst s6  }
0xf: {  	[smem:$0x3FAF] =	sst s7  }
0x10: {  	[smem:$0x3FB0] =	sst s8  }
0x11: {  	[smem:$0x3FB1] =	sst s9;
	s0 =	simm.s32 @!p0 $0x0  }
0x12: {  	s1 =	sld [smem:$0x3F97];
	s0 =	simm.s32 @p0 $0x1  }
0x13: {  	[smem:$0x3FB2] =	sst s0;
	s0 =	simm.s32 @!p1 $0x0  }
0x14: {  	s2 =	sld [smem:$0x3F96];
	s0 =	simm.s32 @p1 $0x1  }
0x15: {  	[smem:$0x3FB3] =	sst s0;
	s0 =	simm.s32 @!p2 $0x0  }
0x16: {  	s3 =	sld [smem:$0x3FDB];
	s0 =	simm.s32 @p2 $0x1  }
0x17: {  	s4 =	simm.s32 $0x1BF5;
	[smem:$0x3FB5] =	sst s0  }
0x18: {  	s0 =	sld [smem:$0x3F98];
	_ =	swait.ge [sflag:s4], $0x0  }
0x19: {  	s7 =	sld [smem:$0x3F99]  }
0x1a: {  	s8 =	sadd.s32 $0xFFFFE003, lr  }
0x1b: {  	s9 =	sadd.s32 $0xFFFFFEF7, lr;
	s5 =	simm.s32 $0xFFFFFFFF;
	p2 =	slt.u32 s8, $0xFFFFF086  }
0x1c: {  	p1 =	slt.u32 s9, $0xF7A;
	s5 =	simm.s32 @!p2 $0x0  }
0x1d: {  	s5 =	simm.s32 @p1 $0x1;
	p0 =	seq.s32 s7, s2  }
0x1e: {  	s7 =	smul.u32 @!p0 $0xF7A, s2;
	p2 =	seq.s32 @!p0 s5, $0x0  }
0x1f: {  	s9 =	smul.u32 $0xF7A, s1;
	s8 =	simm.s32 @!p0 $0x1BF5;
	p2 =	por !p2, p0  }
0x20: {  	[sflag:s8] =	ssyncset.s32 @!p0 $0xFFFFF086;
	s6 =	sadd.s32 @!p0 s3, s7;
	s7 =	simm.s32 @!p0 $0x108  }
0x21: {  	s3 =	sadd.s32 s3, s9;
	s6 =	sadd.s32 @!p0 $0x88, s6;
	s7 =	simm.s32 @p2 $0x1082  }
0x22: {  	[simem:s7], [sflag:s8] =	dma.local @!p0 [hbm:s6], $0xF7A  }
0x23: {  	s9 =	sor.u32 $0xD0000000, s2;
	s6 =	simm.s32 $0x108;
	_ =	swait.ge @!p0 [sflag:s8], $0x0  }
0x24: {  	s3 =	sadd.s32 $0x88, s3;
	s6 =	simm.s32 @!p1 $0x1082;
	[sflag:s4] =	ssyncset.s32 $0xFFFFF086  }
0x25: {  	[simem:s6], [sflag:s4] =	dma.local [hbm:s3], $0xF7A  }
0x26: {  	[smem:$0x3F99] =	sst s1;
	(tag) =	ssettag s2;
	_ =	strace s9  }
0x27: {  	s1 =	sld [smem:$0x3FA9]  }
0x28: {  	s2 =	sld [smem:$0x3FAA]  }
0x29: {  	s4 =	sld [smem:$0x3FAC]  }
0x2a: {  	p0 =	seq.s32 s5, $0x0;
	s5 =	sld [smem:$0x3FAD]  }
0x2b: {  	s6 =	sld [smem:$0x3FAE]  }
0x2c: {  	s7 =	sld [smem:$0x3FAF]  }
0x2d: {  	s3 =	simm.s32 $0x108;
	s8 =	sld [smem:$0x3FB0]  }
0x2e: {  	s3 =	simm.s32 @!p0 $0x1082;
	s9 =	sld [smem:$0x3FB1]  }
0x2f: {  	lr =	sadd.s32 s0, s3;
	s0 =	sld [smem:$0x3FA8]  }
0x30: {  	s3 =	sld [smem:$0x3FAB]  }
0x31: {  	[smem:$0x3FB4] =	sst s10  }
0x32: {  	s10 =	sld [smem:$0x3FB2];
	_ =	sdelay $0x3  }
0x33: {  	p0 =	seq.s32 s10, $0x1;
	s10 =	sld [smem:$0x3FB4];
	_ =	sdelay $0x3  }
0x34: {  	[smem:$0x3FB4] =	sst s10  }
0x35: {  	s10 =	sld [smem:$0x3FB3];
	_ =	sdelay $0x3  }
0x36: {  	p1 =	seq.s32 s10, $0x1;
	s10 =	sld [smem:$0x3FB4];
	_ =	sdelay $0x3  }
0x37: {  	[smem:$0x3FB4] =	sst s10  }
0x38: {  	s10 =	sld [smem:$0x3FB5]  }
0x39: {  	_ = 	snop;
	(pc) =	sbr.ind lr, $3  }
0x3a: {  	_ = 	snop  }
0x3b: {  	_ = 	snop  }
0x3c: {  	p2 =	seq.s32 s10, $0x1;
	s10 =	sld [smem:$0x3FB4]  }
0x3d: {  	_ =	shalt  }
0x3e: {  	_ =	shalt  }
0x3f: {  	_ =	shalt  }
0x40: {  	_ =	shalt  }
0x41: {  	_ =	shalt  }
0x42: {  	_ =	shalt  }
0x43: {  	_ =	shalt  }
0x44: {  	_ =	shalt  }
0x45: {  	_ =	shalt  }
0x46: {  	_ =	shalt  }
0x47: {  	_ =	shalt  }
0x48: {  	_ =	shalt  }
0x49: {  	_ =	shalt  }
0x4a: {  	_ =	shalt  }
0x4b: {  	_ =	shalt  }
0x4c: {  	_ =	shalt  }
0x4d: {  	_ =	shalt  }
0x4e: {  	_ =	shalt  }
0x4f: {  	_ =	shalt  }
0x50: {  	_ =	shalt  }
0x51: {  	_ =	shalt  }
0x52: {  	_ =	shalt  }
0x53: {  	_ =	shalt  }
0x54: {  	_ =	shalt  }
0x55: {  	_ =	shalt  }
0x56: {  	_ =	shalt  }
0x57: {  	_ =	shalt  }
0x58: {  	_ =	shalt  }
0x59: {  	_ =	shalt  }
0x5a: {  	_ =	shalt  }
0x5b: {  	_ =	shalt  }
0x5c: {  	_ =	shalt  }
0x5d: {  	_ =	shalt  }
0x5e: {  	_ =	shalt  }
0x5f: {  	_ =	shalt  }
0x60: {  	_ =	shalt  }
0x61: {  	_ =	shalt  }
0x62: {  	_ =	shalt  }
0x63: {  	_ =	shalt  }
0x64: {  	_ =	shalt  }
0x65: {  	_ =	shalt  }
0x66: {  	_ =	shalt  }
0x67: {  	_ =	shalt  }
0x68: {  	_ =	shalt  }
0x69: {  	_ =	shalt  }
0x6a: {  	_ =	shalt  }
0x6b: {  	_ =	shalt  }
0x6c: {  	_ =	shalt  }
0x6d: {  	_ =	shalt  }
0x6e: {  	_ =	shalt  }
0x6f: {  	_ =	shalt  }
0x70: {  	_ =	shalt  }
0x71: {  	_ =	shalt  }
0x72: {  	_ =	shalt  }
0x73: {  	_ =	shalt  }
0x74: {  	_ =	shalt  }
0x75: {  	_ =	shalt  }
0x76: {  	_ =	shalt  }
0x77: {  	_ =	shalt  }
0x78: {  	_ =	shalt  }
0x79: {  	_ =	shalt  }
0x7a: {  	_ =	shalt  }
0x7b: {  	_ =	shalt  }
0x7c: {  	_ =	shalt  }
0x7d: {  	_ =	shalt  }
0x7e: {  	_ =	shalt  }
0x7f: {  	_ =	shalt  }
0x80: {  	_ =	shalt  }
0x81: {  	_ =	shalt  }
0x82: {  	_ =	shalt  }
0x83: {  	_ =	shalt  }
0x84: {  	_ =	shalt  }
0x85: {  	_ =	shalt  }
0x86: {  	_ =	shalt  }
0x87: {  	_ =	shalt  }
.Lfunc_end0:
.L_simem_size_0:
called_computation_lowered:
.L_overlay_start_0:
0x88: {  	s2 =	sld [smem:$0x3FD9]  }
0x89: {  	s3 =	sld [smem:$0x3FFE];
	_ =	sdelay $0x1  }
0x8a: {  	s1 =	srdreg.scid  }
0x8b: {  	s0 =	sand.u32 $0x1, s1  }
0x8c: {  	s17 =	sshll.u32 s0, $0xA;
	s2 =	sadd.s32 s3, s2  }
0x8d: {  	s2 =	sadd.s32 s2, s17  }
0x8e: {  	[smem:$0x3FC0] =	sst s2  }
0x8f: {  	_ = 	snop  }
0x90: {  	(tm) =	ssettm $0x1  }
0x91: {  	s18 =	sld [smem:$0x3FFB];
	_ =	sdelay $0x3  }
0x92: {  	_ =	strace s18  }
0x93: {  	s2 =	sld [smem:$0x3FFC];
	_ =	sdelay $0x3  }
0x94: {  	_ =	strace s2  }
0x95: {  	s2 =	sld [smem:$0x3FFD];
	_ =	sdelay $0x3  }
0x96: {  	_ =	strace s2  }
0x97: {  	_ =	strace $0x8FFFFFFF  }
0x98: {  	s19 =	sld [smem:$0x3FDB];
	_ =	sdelay $0x1  }
0x99: {  	s20 =	simm.s32 $_scs_section_size  }
0x9a: {  	s4 =	simm.s32 $_size__tile_overlayer_lowered;
	s5 =	simm.s32 $_tile_overlayer_lowered  }
0x9b: {  	s6 =	simm.s32 $0x1BFF;
	s21 =	sshll.u32 s5, $0x1;
	s3 =	sadd.s32 s20, s19  }
0x9c: {  	s22 =	simm.s32 $0x0;
	s4 =	sshll.u32 s4, $0x1;
	s5 =	sadd.s32 s21, s3  }
0x9d: {  	[timem:s22], [sflag:s6] =	dma.local [hbm:s5], s4  }
0x9e: {  	_ =	swait.ge [sflag:s6], s4  }
0x9f: {  	s4 =	ssub.s32 $0x0, s4;
	[sflag:s6] =	ssyncset.done $0x0  }
0xa0: {  	[sflag:s6] =	ssyncadd.s32 s4;
	_ =	sdelay $0x1  }
0xa1: {  	s23 =	simm.s32 $0x1B8B  }
0xa2: {  	_ =	swait.ge [sflag:s23], $0x1  }
0xa3: {  	[sflag:s23] =	ssyncset.done $0x0  }
0xa4: {  	[sflag:s23] =	ssyncadd.s32 $0xFFFFFFFF  }
0xa5: {  	s4 =	sld [smem:$0x0]  }
0xa6: {  	s5 =	sand.u32 $0xFFFFFFFE, s1  }
0xa7: {  	p0 =	sne.s32 s1, s5  }
0xa8: {  	s5 =	sshll.u32 @p0 s5, $0xE  }
0xa9: {  	s5 =	sadd.s32 @p0 $0x11B8D, s5;
	s6 =	sshll.u32 @p0 s4, $0x11  }
0xaa: {  	s5 =	sor.u32 @p0 s6, s5  }
0xab: {  	[sflag:s5] =	ssyncadd.remote.s32 @p0 $0x1;
	_ =	sdelay $0x1  }
0xac: {  	s5 =	simm.s32 @p0 $0x1B8D  }
0xad: {  	_ =	swait.eq @p0 [sflag:s5], $0x1  }
0xae: {  	[sflag:s5] =	ssyncadd.s32 @p0 $0xFFFFFFFF  }
0xaf: {  	s6 =	sshll.u32 @!p0 s1, $0xE  }
0xb0: {  	s6 =	sor.u32 @!p0 $0x4000, s6;
	s5 =	simm.s32 @!p0 $0x1B8D  }
0xb1: {  	s4 =	sshll.u32 @!p0 s4, $0x11;
	s6 =	sadd.s32 @!p0 $0x11B8D, s6;
	_ =	swait.eq @!p0 [sflag:s5], $0x1  }
0xb2: {  	s4 =	sor.u32 @!p0 s4, s6;
	[sflag:s5] =	ssyncadd.s32 @!p0 $0xFFFFFFFF  }
0xb3: {  	s25 =	simm.s32 $0x1B8E;
	s24 =	sld [smem:$0x3FFE];
	[sflag:s4] =	ssyncadd.remote.s32 @!p0 $0x1  }
0xb4: {  	s26 =	simm.s32 $execute0_lowered;
	[smem:$0x3FD2] =	sst s25  }
0xb5: {  	s5 =	sshll.u32 s26, $0x1;
	_ =	strace $0x80000049;
	[dreg:$0x1] =	wrdreg $0xFFFFFFFF  }
0xb6: {  	s28 =	simm.s32 $_size_execute0_lowered;
	s3 =	sadd.s32 s3, s5;
	[dreg:$0x0] =	wrdreg $0x0  }
0xb7: {  	s5 =	sshll.u32 s28, $0x1;
	[dreg:$0x2] =	wrdreg s3  }
0xb8: {  	[dreg:$0x3] =	wrdreg s5  }
0xb9: {  	[dreg:$0x4] =	wrdreg $0xC0  }
0xba: {  	_ =	task [dreg:s22], $0x5FFFF  }
0xbb: {  	[dreg:$0x1] =	wrdreg $0xFFFFFFFF  }
0xbc: {  	[dreg:$0x0] =	wrdreg $0x60  }
0xbd: {  	[dreg:$0x2] =	wrdreg s24  }
0xbe: {  	[dreg:$0x3] =	wrdreg $0xA  }
0xbf: {  	_ =	task.clear_ibuf [dreg:s22], $0x4FFFF;
	_ =	strace $0x90000049  }
0xc0: {  	s29 =	simm.s32 $0xA;
	_ =	strace $0x8000004B  }
0xc1: {  	_ =	swait.ge [sflag:s29], $0x1  }
0xc2: {  	[sflag:s29] =	ssyncadd.s32 $0xFFFFFFFF  }
0xc3: {  	_ =	strace $0x9000004B  }
0xc4: {  	_ =	sfence  }
0xc5: {  	s30 =	sld [smem:$0x0];
	_ =	sdelay $0x2  }
0xc6: {  	s31 =	sshll.u32 s1, $0xD;
	s1 =	sshrl.u32 s1, $0x2  }
0xc7: {  	s4 =	sand.u32 $0x4000, s31;
	s1 =	sadd.s32 s1, s30  }
0xc8: {  	s0 =	sor.u32 s4, s0;
	s1 =	sshll.u32 s1, $0x11  }
0xc9: {  	s0 =	sor.u32 s1, s0  }
0xca: {  	s0 =	sadd.s32 $0x8F2B, s0  }
0xcb: {  	[sflag:s0] =	ssyncadd.remote.s32 $0x1  }
0xcc: {  	_ =	sfence.sel $0xFFFF  }
0xcd: {  	[dreg:$0x0] =	wrdreg $0xFFFFFFFF;
	(pc) =	sbr.abs _section_cstart, $3  }
0xce: {  	[dreg:$0x1] =	wrdreg $0xFFFFFFFF  }
0xcf: {  	_ =	task.clear_ibuf [dreg:s22], $0x2FFFF;
	_ =	strace $0x9FFFFFFF  }
0xd0: {  	(tm) =	ssettm $0x7FFFFFFF  }
0xd1: {  	_ =	shalt  }
tec
execute0_lowered:
.L_overlay_start_1:
0x0: {  	(tag) =	ssettag $0x1  }
0x1: {  	s7 =	rddreg [dreg:$0x0]  }
0x2: {  	s0 =	rddreg [dreg:$0x1];
	_ =	strace $0x8000004A  }
0x3: {  	s1 =	srdreg.scid;
	s4 =	simm.s32 $0x1;
	s9 =	simm.s32 $0x3  }
0x4: {  	s12 =	simm.s32 $0x0;
	s10 =	simm.s32 $0x0;
	s5 =	sshll.u32 s1, $0x4  }
.Ltmp0:
0x5: {  	s1 =	stileid.u32;
	s5 =	sand.u32 $0x10, s5;
	(pc) =	sbr.rel .LBB2_1-.Ltmp0, $4  }
0x6: {  	s2 =	sadd.s32 $0x1200, s7;
	s3 =	sadd.s32 $0xF43800, s7;
	s6 =	sor.u32 s1, s5  }
0x7: {  	[sflag:s4] =	ssyncpa.u1 $0x0;
	s5 =	simm.s32 $0x2;
	s6 =	sshll.u32 s6, $0x7  }
0x8: {  	s7 =	sadd.s32 $0xF53C00, s7;
	[sflag:s5] =	ssyncpa.u1 $0x0;
	s8 =	sadd.s32 $0x80, s6  }
0x9: {  	vm0 =	vmmov $0xff;
	vm1 =	vcmask $0x3F20;
	[sflag:s9] =	ssyncpa.u1 $0x0;
	s9 =	simm.s32 $0x80;
	s11 =	smov.u32 s6  }
.LBB2_9:
0xa: {  	p0 =	seq.s32 s10, $0x2  }
.Ltmp1:
0xb: {  	_ = 	snop;
	(pc) =	sbr.rel @p0 .LBB2_11-.Ltmp1, $1  }
0xc: {  	_ =	sdelay $0x3  }
.LBB2_10:
0xd: {  	s12 =	sadd.s32 $0x80, s11  }
0xe: {  	s13 =	smov.u32 s6;
	p0 =	slt.s32 s12, s8  }
0xf: {  	s13 =	smov.u32 @p0 s12  }
0x10: {  	s10 =	sadd.s32 $0x1, s10;
	s12 =	smov.u32 s11;
	s11 =	smov.u32 s13  }
.LBB2_1:
0x11: {  	p0 =	sne.s32 s10, $0x0  }
.Ltmp2:
0x12: {  	_ = 	snop;
	(pc) =	sbr.rel @!p0 .LBB2_2-.Ltmp2, $1  }
0x13: {  	_ =	sdelay $0x3  }
0x14: {  	s13 =	sand.u32 $0x1, s10  }
0x15: {  	p0 =	seq.s32 s13, $0x0  }
.Ltmp3:
0x16: {  	_ = 	snop;
	(pc) =	sbr.rel @p0 .LBB2_9-.Ltmp3, $1  }
0x17: {  	_ =	sdelay $0x3  }
0x18: {  	_ =	swait.ge [sflag:s5], $0x80  }
0x19: {  	[sflag:s5] =	ssyncset.done $0x0  }
0x1a: {  	s13 =	simm.s32 $0x0;
	[sflag:s5] =	ssyncadd.s32 $0xFFFFFF80  }
0x1b: {  	v0 =	vld.msk [tilespmem:s13+$0x80 ss:$0x1], $0xffff;
	_ =	sdelay $0x4  }
0x1c: {  	vm2 =	vgt.s32 v0, $0x0  }
0x1d: {  	v0 =	vnsel vm2, $0x0, v0  }
0x1e: {  	v0 =	vmin.u32 v0, $0xF423F  }
0x1f: {  	v0 =	vshll.u32 v0, $0x4;
	_ =	sdelay $0x3  }
0x20: {  	s13 =	simm.s32 $0x4100  }
0x21: {  	[tilespmem:s13], [sflag:$0x1] =	stream.indirect_vreg.gather [hbm:s2], $0x80, v0, vm0, $0x38;
	[tilespmem:$0x8100] =	vst v63  }
0x22: {  	s14 =	simm.s32 $0x4500;
	s31 =	simm.s32 $0x10  }
0x23: {  	[tilespmem:s14], [sflag:$0x1] =	stream.indirect_vreg.gather [hbm:s2], $0x80, v0, vm1, $0x38;
	[tilespmem:$0x8100] =	vst v63  }
0x24: {  	s14 =	simm.s32 $0x80;
	v0 =	vld.msk [tilespmem:s31+$0x80 ss:$0x1], $0xffff  }
.LBB2_5:
0x25: {  	p0 =	sne.s32 s14, $0x1C0;
	_ =	sdelay $0x4  }
0x26: {  	vm2 =	vgt.s32 v0, $0x0  }
0x27: {  	v0 =	vnsel vm2, $0x0, v0  }
0x28: {  	v0 =	vmin.u32 v0, $0xF423F  }
0x29: {  	v0 =	vshll.u32 v0, $0x4;
	_ =	sdelay $0x3  }
.Ltmp4:
0x2a: {  	s13 =	sadd.s32 $0x800, s13;
	(pc) =	sbr.rel @p0 .LBB2_5-.Ltmp4, $4  }
0x2b: {  	[tilespmem:s13], [sflag:$0x1] =	stream.indirect_vreg.gather [hbm:s2], $0x80, v0, vm0, $0x38;
	[tilespmem:$0x8100] =	vst v63  }
0x2c: {  	s15 =	sshra.s32 s14, $0x2;
	s16 =	sadd.s32 $0x400, s13  }
0x2d: {  	[tilespmem:s16], [sflag:$0x1] =	stream.indirect_vreg.gather [hbm:s2], $0x80, v0, vm1, $0x38;
	[tilespmem:$0x8100] =	vst v63  }
0x2e: {  	s14 =	sadd.s32 $0x40, s14;
	v0 =	vld.msk [tilespmem:s15+$0x80 ss:$0x1], $0xffff  }
0x2f: {  	_ =	sdelay $0x3  }
0x30: {  	vm2 =	vgt.s32 v0, $0x0  }
0x31: {  	v0 =	vnsel vm2, $0x0, v0  }
0x32: {  	v0 =	vmin.u32 v0, $0xF423F  }
0x33: {  	v0 =	vshll.u32 v0, $0x4;
	_ =	sdelay $0x3  }
0x34: {  	s13 =	sadd.s32 $0x800, s13  }
0x35: {  	[tilespmem:s13], [sflag:$0x1] =	stream.indirect_vreg.gather [hbm:s2], $0x80, v0, vm0, $0x38;
	[tilespmem:$0x8100] =	vst v63  }
0x36: {  	s13 =	sadd.s32 $0x400, s13  }
0x37: {  	[tilespmem:s13], [sflag:$0x1] =	stream.indirect_vreg.gather [hbm:s2], $0x80, v0, vm1, $0x38;
	[tilespmem:$0x8100] =	vst v63  }
0x38: {  	s12 =	sshll.u32 s12, $0x4;
	s14 =	simm.s32 $0x80;
	_ =	swait.ge [sflag:s4], $0x4000  }
0x39: {  	s15 =	simm.s32 $0x4500;
	s12 =	sadd.s32 s12, s7;
	[sflag:s4] =	ssyncset.done $0x0  }
0x3a: {  	s16 =	sadd.s32 $0x0, s12;
	s13 =	simm.s32 $0x4100;
	[sflag:s4] =	ssyncadd.s32 $0xFFFFC000  }
.LBB2_7:
0x3b: {  	[hbm:s16] =	stream.linear.scatter [tilespmem:s13], [sflag:$0x3], $0x400, $0x38;
	[tilespmem:$0x8100] =	vst v63  }
0x3c: {  	s16 =	smov.u32 s14;
	s13 =	smov.u32 s15;
	p0 =	sne.s32 s14, $0x780  }
.Ltmp5:
0x3d: {  	s14 =	sadd.s32 $0x80, s14;
	(pc) =	sbr.rel @p0 .LBB2_7-.Ltmp5, $2  }
0x3e: {  	_ =	sdelay $0x2  }
0x3f: {  	s15 =	sadd.s32 $0x400, s15;
	s16 =	sadd.s32 s16, s12  }
.Ltmp6:
0x40: {  	(pc) =	sbr.rel .LBB2_9-.Ltmp6, $2  }
0x41: {  	_ =	sdelay $0x2  }
0x42: {  	[hbm:s16] =	stream.linear.scatter [tilespmem:s13], [sflag:$0x3], $0x400, $0x38;
	[tilespmem:$0x8100] =	vst v63  }
.LBB2_2:
.Ltmp7:
0x43: {  	(pc) =	sbr.rel .LBB2_10-.Ltmp7, $4  }
0x44: {  	_ = 	snop  }
0x45: {  	s12 =	sshrl.u32 s11, $0x3  }
0x46: {  	s13 =	sand.u32 $0x7, s11;
	s12 =	sadd.s32 s3, s12  }
0x47: {  	[tilespmem:s9], [sflag:$0x2] =	stream.linear.gather [hbm4b:s12+s13], $0x80, $0x38;
	[tilespmem:$0x8100] =	vst v63  }
.LBB2_11:
0x48: {  	s2 =	simm.s32 $0x3  }
0x49: {  	_ =	swait.ge [sflag:s2], $0x4000  }
0x4a: {  	[sflag:s2] =	ssyncset.done $0x0  }
0x4b: {  	[sflag:s2] =	ssyncadd.s32 $0xFFFFC000  }
0x4c: {  	_ =	sfence.sel $0x180000  }
0x4d: {  	s3 =	simm.s32 $0x2;
	[bflag:$0x0] =	sbarrier.arrive $0xFFFF  }
0x4e: {  	[sflag:s3] =	ssyncpa.u1 $0x1  }
0x4f: {  	s31 =	simm.s32 $0x1;
	[sflag:s2] =	ssyncpa.u1 $0x1  }
0x50: {  	[sflag:s31] =	ssyncpa.u1 $0x1  }
0x51: {  	p0 =	sne.s32 s1, $0x0;
	_ =	strace $0x9000004A  }
0x52: {  	s0 =	sadd.s32 @!p0 $0x100000, s0;
	[bflag:$0x2] =	sbarrier.arrive $0xFFFF  }
0x53: {  	[sflag:s0] =	ssyncadd.tile.s32 @!p0 $0x1;
	_ =	shalt  }
.Lfunc_end2:
_tile_overlayer_lowered:
.L_overlay_start_2:
0x54: {  	(tag) =	ssettag $0x2  }
0x55: {  	s0 =	rddreg [dreg:$0x0];
	s2 =	stileid.u32  }
0x56: {  	s1 =	rddreg [dreg:$0x1];
	p0 =	sne.s32 s2, $0x0  }
0x57: {  	s3 =	rddreg [dreg:$0x2];
	[bflag:$0x3] =	sbarrier.arrive $0xFFFF;
	s2 =	simm.s32 @!p0 $0x1C01  }
0x58: {  	[timem:s3], [sflag:s2] =	dma.local @!p0 [hbm:s0], s1  }
0x59: {  	s0 =	simm.s32 @!p0 $0x1  }
0x5a: {  	_ =	swait.ge @!p0 [sflag:s0], s1  }
0x5b: {  	s1 =	ssub.s32 @!p0 $0x0, s1;
	[sflag:s0] =	ssyncset.done @!p0 $0x0  }
0x5c: {  	[sflag:s0] =	ssyncadd.s32 @!p0 s1  }
0x5d: {  	[bflag:$0x3] =	sbarrier.arrive $0xFFFF  }
0x5e: {  	_ =	shalt  }

</sc_bundles>
